<compile_context>
chip_gen: v7x
topology: tpu7x:2x2x1
jax: 0.10.2.dev20260603
libtpu: 0.0.44.dev20260713+nightly
codegen_flags: <defaults>
</compile_context>

<pallas_src>
import functools

import jax
import jax.numpy as jnp
from jax import lax
from jax.experimental import pallas as pl
from jax.experimental.pallas import tpu as pltpu
from jax.experimental.pallas import tpu_sc as plsc

B = 16384
D = 32
V = 100000
L = 16
NC = 2
NS = 16
FPC = D // NC
KPT = B // NS
J = KPT // L


def _sc_body(k_hbm, tt_hbm, w_hbm, out_hbm, spm, idx_v, wv, col_all, out_v,
             sem_stage, sem_g):
    c = lax.axis_index("c")
    s = lax.axis_index("s")
    base = s * KPT

    stage = pltpu.async_copy(tt_hbm.at[c * FPC + s], spm.at[s], sem_stage)
    pltpu.sync_copy(k_hbm.at[pl.ds(base, KPT)], idx_v)
    pltpu.sync_copy(w_hbm.at[pl.ds(c * FPC, FPC)], wv)
    stage.wait()
    plsc.subcore_barrier()

    copies = [
        pltpu.async_copy(spm.at[f].at[idx_v], col_all.at[f], sem_g)
        for f in range(FPC)
    ]

    for f in range(FPC):
        copies[f].wait()

        def body(j, carry, f=f):
            x = col_all[f, pl.ds(j * L, L)]
            w = wv[f]
            t = (x * w) / (1.0 + jnp.exp(-x))
            if f == 0:
                out_v[pl.ds(j * L, L)] = t
            else:
                out_v[pl.ds(j * L, L)] += t
            return carry

        lax.fori_loop(0, J, body, 0)

    pltpu.sync_copy(out_v, out_hbm.at[c, pl.ds(base, KPT)])


_sc_kernel = functools.partial(
    pl.kernel,
    out_type=jax.ShapeDtypeStruct((NC, B), jnp.float32),
    mesh=plsc.VectorSubcoreMesh(core_axis_name="c", subcore_axis_name="s"),
    compiler_params=pltpu.CompilerParams(use_tc_tiling_on_sc=False),
    scratch_types=[
        pltpu.VMEM_SHARED((FPC, V), jnp.float32),
        pltpu.VMEM((KPT,), jnp.int32),
        pltpu.VMEM((FPC, L), jnp.float32),
        pltpu.VMEM((FPC, KPT), jnp.float32),
        pltpu.VMEM((KPT,), jnp.float32),
        pltpu.SemaphoreType.DMA,
        pltpu.SemaphoreType.DMA,
    ],
)(_sc_body)


def kernel(k, emb_table, W, b):
    tt = emb_table.T
    wbb = jnp.broadcast_to(W.reshape(D, 1), (D, L))
    parts = _sc_kernel(k.astype(jnp.int32), tt, wbb)
    out = jax.nn.sigmoid(parts[0] + parts[1] + b[0])
    return out.reshape(B, 1)

# --- scband reference (transcript-rebuilt; emitter-appended) ---
"""Pipeline reference for scband-deltas-nn-47742856462519 (READ-ONLY COPY).

The authoritative reference and input builder live on the scoring server;
editing this copy changes nothing except your own understanding.
"""

import jax, jax.numpy as jnp
import numpy as np

K_TRANSITIONS = 100000
EMB_DIM = 32
SCALE = 1.0

def setup_inputs(seed: int = 0) -> dict:
    key = jax.random.key(seed)
    k_idx_key, emb_key, w_key, b_key = jax.random.split(key, 4)
    k = jax.random.randint(k_idx_key, (16384,), 0, K_TRANSITIONS, dtype=jnp.int64) if jax.config.jax_enable_x64 else jax.random.randint(k_idx_key, (16384,), 0, K_TRANSITIONS, dtype=jnp.int32)
    # nn.Embedding default init: N(0,1)
    emb_table = jax.random.normal(emb_key, (K_TRANSITIONS, EMB_DIM), dtype=jnp.float32)
    # nn.Linear(32, 1) init: uniform(-1/sqrt(32), 1/sqrt(32))
    bound = 1.0 / np.sqrt(EMB_DIM)
    W = jax.random.uniform(w_key, (EMB_DIM, 1), minval=-bound, maxval=bound, dtype=jnp.float32)
    b = jax.random.uniform(b_key, (1,), minval=-bound, maxval=bound, dtype=jnp.float32)
    return {"k": k, "emb_table": emb_table, "W": W, "b": b}

def reference(k, emb_table, W, b):
    # hidden = self.k_embedding(k)
    hidden = jnp.take(emb_table, k, axis=0)
    # hidden = SiLU(hidden)
    hidden = hidden * jax.nn.sigmoid(hidden)
    # out = self.output_layer(hidden)
    out = hidden @ W + b
    # scaled_out = scale * sigmoid(out)
    scaled_out = SCALE * jax.nn.sigmoid(out)
    return scaled_out

if __name__ == "__main__":
    import jax
    _d = setup_inputs()
    print(jax.jit(kernel)(*tuple(_d.values())))

</pallas_src>

<mosaic_0001>
#map = affine_map<(d0, d1) -> (0)>
#map1 = affine_map<(d0, d1) -> (0, 0)>
module attributes {stable_mosaic.version = 14 : i64} {
  func.func @_sc_body(%arg0: i32, %arg1: i32, %arg2: memref<16384xi32, #tpu.memory_space<hbm>>, %arg3: memref<32x100000xf32, #tpu.memory_space<hbm>>, %arg4: memref<32x16xf32, #tpu.memory_space<hbm>>, %arg5: memref<2x16384xf32, #tpu.memory_space<hbm>>, %arg6: memref<16x100000xf32, #tpu.memory_space<vmem_shared>>, %arg7: memref<1024xi32, #tpu.memory_space<vmem>>, %arg8: memref<16x16xf32, #tpu.memory_space<vmem>>, %arg9: memref<16x1024xf32, #tpu.memory_space<vmem>>, %arg10: memref<1024xf32, #tpu.memory_space<vmem>>, %arg11: memref<!tpu.dma_semaphore, #tpu.memory_space<semaphore_mem>>, %arg12: memref<!tpu.dma_semaphore, #tpu.memory_space<semaphore_mem>>) attributes {dimension_semantics = [#tpu.dimension_semantics<core_parallel>, #tpu.dimension_semantics<subcore_parallel>], iteration_bounds = array<i64: 2, 16>, scalar_prefetch = 0 : i64, scratch_operands = 7 : i64, tpu.core_type = #tpu.core_type<sc_vector_subcore>, window_params = [{transform_indices = #map}, {transform_indices = #map1}, {transform_indices = #map1}, {transform_indices = #map1}]} {
    %mul3A = arith.constant 1024 : i32
    %mul3A_0 = arith.muli %arg1, %mul3A : i32
    %mul3A_1 = arith.constant 16 : i32
    %mul3A_2 = arith.muli %arg0, %mul3A_1 : i32
    %add3A = arith.addi %mul3A_2, %arg1 : i32
    %dma_start3A = arith.constant 0 : i32
    %dma_start3A_3 = tpu.memref_slice %arg6[%arg1, %dma_start3A] : memref<16x100000xf32, #tpu.memory_space<vmem_shared>> -> memref<1x100000xf32, #tpu.memory_space<vmem_shared>>
    %dma_start3A_4 = tpu.memref_squeeze %dma_start3A_3 : memref<1x100000xf32, #tpu.memory_space<vmem_shared>> -> memref<100000xf32, #tpu.memory_space<vmem_shared>>
    %dma_start3A_5 = arith.constant 0 : i32
    %dma_start3A_6 = tpu.memref_slice %arg3[%add3A, %dma_start3A_5] : memref<32x100000xf32, #tpu.memory_space<hbm>> -> memref<1x100000xf32, #tpu.memory_space<hbm>>
    %dma_start3A_7 = tpu.memref_squeeze %dma_start3A_6 : memref<1x100000xf32, #tpu.memory_space<hbm>> -> memref<100000xf32, #tpu.memory_space<hbm>>
    tpu.enqueue_dma source(%dma_start3A_7 : memref<100000xf32, #tpu.memory_space<hbm>>) target(%dma_start3A_4 : memref<100000xf32, #tpu.memory_space<vmem_shared>>) target_semaphore(%arg11 : memref<!tpu.dma_semaphore, #tpu.memory_space<semaphore_mem>>)
    "tpu.region"() ({
      %run_scoped3A = tpu.sem_alloc : memref<!tpu.dma_semaphore, #tpu.memory_space<semaphore_mem>>
      %dma_start3A_430 = tpu.memref_slice %arg2[%mul3A_0] : memref<16384xi32, #tpu.memory_space<hbm>> -> memref<1024xi32, #tpu.memory_space<hbm>>
      %dma_start3A_431 = tpu.memref_slice %arg2[%mul3A_0] : memref<16384xi32, #tpu.memory_space<hbm>> -> memref<1024xi32, #tpu.memory_space<hbm>>
      tpu.enqueue_dma source(%dma_start3A_431 : memref<1024xi32, #tpu.memory_space<hbm>>) target(%arg7 : memref<1024xi32, #tpu.memory_space<vmem>>) target_semaphore(%run_scoped3A : memref<!tpu.dma_semaphore, #tpu.memory_space<semaphore_mem>>)
      %dma_wait3A_432 = tpu.memref_slice %arg2[%mul3A_0] : memref<16384xi32, #tpu.memory_space<hbm>> -> memref<1024xi32, #tpu.memory_space<hbm>>
      %dma_wait3A_433 = tpu.memref_slice %arg2[%mul3A_0] : memref<16384xi32, #tpu.memory_space<hbm>> -> memref<1024xi32, #tpu.memory_space<hbm>>
      tpu.wait_dma2 semaphore(%run_scoped3A : memref<!tpu.dma_semaphore, #tpu.memory_space<semaphore_mem>>) src(%dma_wait3A_433 : memref<1024xi32, #tpu.memory_space<hbm>>) dst(%arg7 : memref<1024xi32, #tpu.memory_space<vmem>>)
      tpu.yield
    }) : () -> ()
    %mul3A_8 = arith.constant 16 : i32
    %mul3A_9 = arith.muli %arg0, %mul3A_8 : i32
    "tpu.region"() ({
      %run_scoped3A = tpu.sem_alloc : memref<!tpu.dma_semaphore, #tpu.memory_space<semaphore_mem>>
      %dma_start3A_430 = arith.constant 0 : i32
      %dma_start3A_431 = tpu.memref_slice %arg4[%mul3A_9, %dma_start3A_430] : memref<32x16xf32, #tpu.memory_space<hbm>> -> memref<16x16xf32, #tpu.memory_space<hbm>>
      %dma_start3A_432 = arith.constant 0 : i32
      %dma_start3A_433 = tpu.memref_slice %arg4[%mul3A_9, %dma_start3A_432] : memref<32x16xf32, #tpu.memory_space<hbm>> -> memref<16x16xf32, #tpu.memory_space<hbm>>
      tpu.enqueue_dma source(%dma_start3A_433 : memref<16x16xf32, #tpu.memory_space<hbm>>) target(%arg8 : memref<16x16xf32, #tpu.memory_space<vmem>>) target_semaphore(%run_scoped3A : memref<!tpu.dma_semaphore, #tpu.memory_space<semaphore_mem>>)
      %dma_wait3A_434 = arith.constant 0 : i32
      %dma_wait3A_435 = tpu.memref_slice %arg4[%mul3A_9, %dma_wait3A_434] : memref<32x16xf32, #tpu.memory_space<hbm>> -> memref<16x16xf32, #tpu.memory_space<hbm>>
      %dma_wait3A_436 = arith.constant 0 : i32
      %dma_wait3A_437 = tpu.memref_slice %arg4[%mul3A_9, %dma_wait3A_436] : memref<32x16xf32, #tpu.memory_space<hbm>> -> memref<16x16xf32, #tpu.memory_space<hbm>>
      tpu.wait_dma2 semaphore(%run_scoped3A : memref<!tpu.dma_semaphore, #tpu.memory_space<semaphore_mem>>) src(%dma_wait3A_437 : memref<16x16xf32, #tpu.memory_space<hbm>>) dst(%arg8 : memref<16x16xf32, #tpu.memory_space<vmem>>)
      tpu.yield
    }) : () -> ()
    %dma_wait3A = arith.constant 0 : i32
    %dma_wait3A_10 = tpu.memref_slice %arg6[%arg1, %dma_wait3A] : memref<16x100000xf32, #tpu.memory_space<vmem_shared>> -> memref<1x100000xf32, #tpu.memory_space<vmem_shared>>
    %dma_wait3A_11 = tpu.memref_squeeze %dma_wait3A_10 : memref<1x100000xf32, #tpu.memory_space<vmem_shared>> -> memref<100000xf32, #tpu.memory_space<vmem_shared>>
    %dma_wait3A_12 = arith.constant 0 : i32
    %dma_wait3A_13 = tpu.memref_slice %arg3[%add3A, %dma_wait3A_12] : memref<32x100000xf32, #tpu.memory_space<hbm>> -> memref<1x100000xf32, #tpu.memory_space<hbm>>
    %dma_wait3A_14 = tpu.memref_squeeze %dma_wait3A_13 : memref<1x100000xf32, #tpu.memory_space<hbm>> -> memref<100000xf32, #tpu.memory_space<hbm>>
    tpu.wait_dma2 semaphore(%arg11 : memref<!tpu.dma_semaphore, #tpu.memory_space<semaphore_mem>>) src(%dma_wait3A_14 : memref<100000xf32, #tpu.memory_space<hbm>>) dst(%dma_wait3A_11 : memref<100000xf32, #tpu.memory_space<vmem_shared>>)
    %barrier3A = arith.constant 0 : index
    tpu.barrier barrier_id(%barrier3A)
    %dma_start3A_15 = arith.constant 0 : i32
    %dma_start3A_16 = arith.constant 0 : i32
    %dma_start3A_17 = arith.constant 0 : i32
    %dma_start3A_18 = tpu.memref_slice %arg9[%dma_start3A_16, %dma_start3A_17] : memref<16x1024xf32, #tpu.memory_space<vmem>> -> memref<1x1024xf32, #tpu.memory_space<vmem>>
    %dma_start3A_19 = tpu.memref_squeeze %dma_start3A_18 : memref<1x1024xf32, #tpu.memory_space<vmem>> -> memref<1024xf32, #tpu.memory_space<vmem>>
    %dma_start3A_20 = arith.constant 0 : i32
    %dma_start3A_21 = tpu.memref_slice %arg6[%dma_start3A_15, %dma_start3A_20] : memref<16x100000xf32, #tpu.memory_space<vmem_shared>> -> memref<1x100000xf32, #tpu.memory_space<vmem_shared>>
    %dma_start3A_22 = tpu.memref_squeeze %dma_start3A_21 : memref<1x100000xf32, #tpu.memory_space<vmem_shared>> -> memref<100000xf32, #tpu.memory_space<vmem_shared>>
    %dma_start3A_23 = arith.constant 0 : i32
    %dma_start3A_24 = tpu.memref_slice %dma_start3A_22[%dma_start3A_23] : memref<100000xf32, #tpu.memory_space<vmem_shared>> -> memref<100000xf32, #tpu.memory_space<vmem_shared>>
    tpu.enqueue_indirect_dma source(%dma_start3A_24 : memref<100000xf32, #tpu.memory_space<vmem_shared>>) target(%dma_start3A_19 : memref<1024xf32, #tpu.memory_space<vmem>>) offsets(%arg7 : memref<1024xi32, #tpu.memory_space<vmem>>) semaphore(%arg12 : memref<!tpu.dma_semaphore, #tpu.memory_space<semaphore_mem>>)
    %dma_start3A_25 = arith.constant 1 : i32
    %dma_start3A_26 = arith.constant 1 : i32
    %dma_start3A_27 = arith.constant 0 : i32
    %dma_start3A_28 = tpu.memref_slice %arg9[%dma_start3A_26, %dma_start3A_27] : memref<16x1024xf32, #tpu.memory_space<vmem>> -> memref<1x1024xf32, #tpu.memory_space<vmem>>
    %dma_start3A_29 = tpu.memref_squeeze %dma_start3A_28 : memref<1x1024xf32, #tpu.memory_space<vmem>> -> memref<1024xf32, #tpu.memory_space<vmem>>
    %dma_start3A_30 = arith.constant 0 : i32
    %dma_start3A_31 = tpu.memref_slice %arg6[%dma_start3A_25, %dma_start3A_30] : memref<16x100000xf32, #tpu.memory_space<vmem_shared>> -> memref<1x100000xf32, #tpu.memory_space<vmem_shared>>
    %dma_start3A_32 = tpu.memref_squeeze %dma_start3A_31 : memref<1x100000xf32, #tpu.memory_space<vmem_shared>> -> memref<100000xf32, #tpu.memory_space<vmem_shared>>
    %dma_start3A_33 = arith.constant 0 : i32
    %dma_start3A_34 = tpu.memref_slice %dma_start3A_32[%dma_start3A_33] : memref<100000xf32, #tpu.memory_space<vmem_shared>> -> memref<100000xf32, #tpu.memory_space<vmem_shared>>
    tpu.enqueue_indirect_dma source(%dma_start3A_34 : memref<100000xf32, #tpu.memory_space<vmem_shared>>) target(%dma_start3A_29 : memref<1024xf32, #tpu.memory_space<vmem>>) offsets(%arg7 : memref<1024xi32, #tpu.memory_space<vmem>>) semaphore(%arg12 : memref<!tpu.dma_semaphore, #tpu.memory_space<semaphore_mem>>)
    %dma_start3A_35 = arith.constant 2 : i32
    %dma_start3A_36 = arith.constant 2 : i32
    %dma_start3A_37 = arith.constant 0 : i32
    %dma_start3A_38 = tpu.memref_slice %arg9[%dma_start3A_36, %dma_start3A_37] : memref<16x1024xf32, #tpu.memory_space<vmem>> -> memref<1x1024xf32, #tpu.memory_space<vmem>>
    %dma_start3A_39 = tpu.memref_squeeze %dma_start3A_38 : memref<1x1024xf32, #tpu.memory_space<vmem>> -> memref<1024xf32, #tpu.memory_space<vmem>>
    %dma_start3A_40 = arith.constant 0 : i32
    %dma_start3A_41 = tpu.memref_slice %arg6[%dma_start3A_35, %dma_start3A_40] : memref<16x100000xf32, #tpu.memory_space<vmem_shared>> -> memref<1x100000xf32, #tpu.memory_space<vmem_shared>>
    %dma_start3A_42 = tpu.memref_squeeze %dma_start3A_41 : memref<1x100000xf32, #tpu.memory_space<vmem_shared>> -> memref<100000xf32, #tpu.memory_space<vmem_shared>>
    %dma_start3A_43 = arith.constant 0 : i32
    %dma_start3A_44 = tpu.memref_slice %dma_start3A_42[%dma_start3A_43] : memref<100000xf32, #tpu.memory_space<vmem_shared>> -> memref<100000xf32, #tpu.memory_space<vmem_shared>>
    tpu.enqueue_indirect_dma source(%dma_start3A_44 : memref<100000xf32, #tpu.memory_space<vmem_shared>>) target(%dma_start3A_39 : memref<1024xf32, #tpu.memory_space<vmem>>) offsets(%arg7 : memref<1024xi32, #tpu.memory_space<vmem>>) semaphore(%arg12 : memref<!tpu.dma_semaphore, #tpu.memory_space<semaphore_mem>>)
    %dma_start3A_45 = arith.constant 3 : i32
    %dma_start3A_46 = arith.constant 3 : i32
    %dma_start3A_47 = arith.constant 0 : i32
    %dma_start3A_48 = tpu.memref_slice %arg9[%dma_start3A_46, %dma_start3A_47] : memref<16x1024xf32, #tpu.memory_space<vmem>> -> memref<1x1024xf32, #tpu.memory_space<vmem>>
    %dma_start3A_49 = tpu.memref_squeeze %dma_start3A_48 : memref<1x1024xf32, #tpu.memory_space<vmem>> -> memref<1024xf32, #tpu.memory_space<vmem>>
    %dma_start3A_50 = arith.constant 0 : i32
    %dma_start3A_51 = tpu.memref_slice %arg6[%dma_start3A_45, %dma_start3A_50] : memref<16x100000xf32, #tpu.memory_space<vmem_shared>> -> memref<1x100000xf32, #tpu.memory_space<vmem_shared>>
    %dma_start3A_52 = tpu.memref_squeeze %dma_start3A_51 : memref<1x100000xf32, #tpu.memory_space<vmem_shared>> -> memref<100000xf32, #tpu.memory_space<vmem_shared>>
    %dma_start3A_53 = arith.constant 0 : i32
    %dma_start3A_54 = tpu.memref_slice %dma_start3A_52[%dma_start3A_53] : memref<100000xf32, #tpu.memory_space<vmem_shared>> -> memref<100000xf32, #tpu.memory_space<vmem_shared>>
    tpu.enqueue_indirect_dma source(%dma_start3A_54 : memref<100000xf32, #tpu.memory_space<vmem_shared>>) target(%dma_start3A_49 : memref<1024xf32, #tpu.memory_space<vmem>>) offsets(%arg7 : memref<1024xi32, #tpu.memory_space<vmem>>) semaphore(%arg12 : memref<!tpu.dma_semaphore, #tpu.memory_space<semaphore_mem>>)
    %dma_start3A_55 = arith.constant 4 : i32
    %dma_start3A_56 = arith.constant 4 : i32
    %dma_start3A_57 = arith.constant 0 : i32
    %dma_start3A_58 = tpu.memref_slice %arg9[%dma_start3A_56, %dma_start3A_57] : memref<16x1024xf32, #tpu.memory_space<vmem>> -> memref<1x1024xf32, #tpu.memory_space<vmem>>
    %dma_start3A_59 = tpu.memref_squeeze %dma_start3A_58 : memref<1x1024xf32, #tpu.memory_space<vmem>> -> memref<1024xf32, #tpu.memory_space<vmem>>
    %dma_start3A_60 = arith.constant 0 : i32
    %dma_start3A_61 = tpu.memref_slice %arg6[%dma_start3A_55, %dma_start3A_60] : memref<16x100000xf32, #tpu.memory_space<vmem_shared>> -> memref<1x100000xf32, #tpu.memory_space<vmem_shared>>
    %dma_start3A_62 = tpu.memref_squeeze %dma_start3A_61 : memref<1x100000xf32, #tpu.memory_space<vmem_shared>> -> memref<100000xf32, #tpu.memory_space<vmem_shared>>
    %dma_start3A_63 = arith.constant 0 : i32
    %dma_start3A_64 = tpu.memref_slice %dma_start3A_62[%dma_start3A_63] : memref<100000xf32, #tpu.memory_space<vmem_shared>> -> memref<100000xf32, #tpu.memory_space<vmem_shared>>
    tpu.enqueue_indirect_dma source(%dma_start3A_64 : memref<100000xf32, #tpu.memory_space<vmem_shared>>) target(%dma_start3A_59 : memref<1024xf32, #tpu.memory_space<vmem>>) offsets(%arg7 : memref<1024xi32, #tpu.memory_space<vmem>>) semaphore(%arg12 : memref<!tpu.dma_semaphore, #tpu.memory_space<semaphore_mem>>)
    %dma_start3A_65 = arith.constant 5 : i32
    %dma_start3A_66 = arith.constant 5 : i32
    %dma_start3A_67 = arith.constant 0 : i32
    %dma_start3A_68 = tpu.memref_slice %arg9[%dma_start3A_66, %dma_start3A_67] : memref<16x1024xf32, #tpu.memory_space<vmem>> -> memref<1x1024xf32, #tpu.memory_space<vmem>>
    %dma_start3A_69 = tpu.memref_squeeze %dma_start3A_68 : memref<1x1024xf32, #tpu.memory_space<vmem>> -> memref<1024xf32, #tpu.memory_space<vmem>>
    %dma_start3A_70 = arith.constant 0 : i32
    %dma_start3A_71 = tpu.memref_slice %arg6[%dma_start3A_65, %dma_start3A_70] : memref<16x100000xf32, #tpu.memory_space<vmem_shared>> -> memref<1x100000xf32, #tpu.memory_space<vmem_shared>>
    %dma_start3A_72 = tpu.memref_squeeze %dma_start3A_71 : memref<1x100000xf32, #tpu.memory_space<vmem_shared>> -> memref<100000xf32, #tpu.memory_space<vmem_shared>>
    %dma_start3A_73 = arith.constant 0 : i32
    %dma_start3A_74 = tpu.memref_slice %dma_start3A_72[%dma_start3A_73] : memref<100000xf32, #tpu.memory_space<vmem_shared>> -> memref<100000xf32, #tpu.memory_space<vmem_shared>>
    tpu.enqueue_indirect_dma source(%dma_start3A_74 : memref<100000xf32, #tpu.memory_space<vmem_shared>>) target(%dma_start3A_69 : memref<1024xf32, #tpu.memory_space<vmem>>) offsets(%arg7 : memref<1024xi32, #tpu.memory_space<vmem>>) semaphore(%arg12 : memref<!tpu.dma_semaphore, #tpu.memory_space<semaphore_mem>>)
    %dma_start3A_75 = arith.constant 6 : i32
    %dma_start3A_76 = arith.constant 6 : i32
    %dma_start3A_77 = arith.constant 0 : i32
    %dma_start3A_78 = tpu.memref_slice %arg9[%dma_start3A_76, %dma_start3A_77] : memref<16x1024xf32, #tpu.memory_space<vmem>> -> memref<1x1024xf32, #tpu.memory_space<vmem>>
    %dma_start3A_79 = tpu.memref_squeeze %dma_start3A_78 : memref<1x1024xf32, #tpu.memory_space<vmem>> -> memref<1024xf32, #tpu.memory_space<vmem>>
    %dma_start3A_80 = arith.constant 0 : i32
    %dma_start3A_81 = tpu.memref_slice %arg6[%dma_start3A_75, %dma_start3A_80] : memref<16x100000xf32, #tpu.memory_space<vmem_shared>> -> memref<1x100000xf32, #tpu.memory_space<vmem_shared>>
    %dma_start3A_82 = tpu.memref_squeeze %dma_start3A_81 : memref<1x100000xf32, #tpu.memory_space<vmem_shared>> -> memref<100000xf32, #tpu.memory_space<vmem_shared>>
    %dma_start3A_83 = arith.constant 0 : i32
    %dma_start3A_84 = tpu.memref_slice %dma_start3A_82[%dma_start3A_83] : memref<100000xf32, #tpu.memory_space<vmem_shared>> -> memref<100000xf32, #tpu.memory_space<vmem_shared>>
    tpu.enqueue_indirect_dma source(%dma_start3A_84 : memref<100000xf32, #tpu.memory_space<vmem_shared>>) target(%dma_start3A_79 : memref<1024xf32, #tpu.memory_space<vmem>>) offsets(%arg7 : memref<1024xi32, #tpu.memory_space<vmem>>) semaphore(%arg12 : memref<!tpu.dma_semaphore, #tpu.memory_space<semaphore_mem>>)
    %dma_start3A_85 = arith.constant 7 : i32
    %dma_start3A_86 = arith.constant 7 : i32
    %dma_start3A_87 = arith.constant 0 : i32
    %dma_start3A_88 = tpu.memref_slice %arg9[%dma_start3A_86, %dma_start3A_87] : memref<16x1024xf32, #tpu.memory_space<vmem>> -> memref<1x1024xf32, #tpu.memory_space<vmem>>
    %dma_start3A_89 = tpu.memref_squeeze %dma_start3A_88 : memref<1x1024xf32, #tpu.memory_space<vmem>> -> memref<1024xf32, #tpu.memory_space<vmem>>
    %dma_start3A_90 = arith.constant 0 : i32
    %dma_start3A_91 = tpu.memref_slice %arg6[%dma_start3A_85, %dma_start3A_90] : memref<16x100000xf32, #tpu.memory_space<vmem_shared>> -> memref<1x100000xf32, #tpu.memory_space<vmem_shared>>
    %dma_start3A_92 = tpu.memref_squeeze %dma_start3A_91 : memref<1x100000xf32, #tpu.memory_space<vmem_shared>> -> memref<100000xf32, #tpu.memory_space<vmem_shared>>
    %dma_start3A_93 = arith.constant 0 : i32
    %dma_start3A_94 = tpu.memref_slice %dma_start3A_92[%dma_start3A_93] : memref<100000xf32, #tpu.memory_space<vmem_shared>> -> memref<100000xf32, #tpu.memory_space<vmem_shared>>
    tpu.enqueue_indirect_dma source(%dma_start3A_94 : memref<100000xf32, #tpu.memory_space<vmem_shared>>) target(%dma_start3A_89 : memref<1024xf32, #tpu.memory_space<vmem>>) offsets(%arg7 : memref<1024xi32, #tpu.memory_space<vmem>>) semaphore(%arg12 : memref<!tpu.dma_semaphore, #tpu.memory_space<semaphore_mem>>)
    %dma_start3A_95 = arith.constant 8 : i32
    %dma_start3A_96 = arith.constant 8 : i32
    %dma_start3A_97 = arith.constant 0 : i32
    %dma_start3A_98 = tpu.memref_slice %arg9[%dma_start3A_96, %dma_start3A_97] : memref<16x1024xf32, #tpu.memory_space<vmem>> -> memref<1x1024xf32, #tpu.memory_space<vmem>>
    %dma_start3A_99 = tpu.memref_squeeze %dma_start3A_98 : memref<1x1024xf32, #tpu.memory_space<vmem>> -> memref<1024xf32, #tpu.memory_space<vmem>>
    %dma_start3A_100 = arith.constant 0 : i32
    %dma_start3A_101 = tpu.memref_slice %arg6[%dma_start3A_95, %dma_start3A_100] : memref<16x100000xf32, #tpu.memory_space<vmem_shared>> -> memref<1x100000xf32, #tpu.memory_space<vmem_shared>>
    %dma_start3A_102 = tpu.memref_squeeze %dma_start3A_101 : memref<1x100000xf32, #tpu.memory_space<vmem_shared>> -> memref<100000xf32, #tpu.memory_space<vmem_shared>>
    %dma_start3A_103 = arith.constant 0 : i32
    %dma_start3A_104 = tpu.memref_slice %dma_start3A_102[%dma_start3A_103] : memref<100000xf32, #tpu.memory_space<vmem_shared>> -> memref<100000xf32, #tpu.memory_space<vmem_shared>>
    tpu.enqueue_indirect_dma source(%dma_start3A_104 : memref<100000xf32, #tpu.memory_space<vmem_shared>>) target(%dma_start3A_99 : memref<1024xf32, #tpu.memory_space<vmem>>) offsets(%arg7 : memref<1024xi32, #tpu.memory_space<vmem>>) semaphore(%arg12 : memref<!tpu.dma_semaphore, #tpu.memory_space<semaphore_mem>>)
    %dma_start3A_105 = arith.constant 9 : i32
    %dma_start3A_106 = arith.constant 9 : i32
    %dma_start3A_107 = arith.constant 0 : i32
    %dma_start3A_108 = tpu.memref_slice %arg9[%dma_start3A_106, %dma_start3A_107] : memref<16x1024xf32, #tpu.memory_space<vmem>> -> memref<1x1024xf32, #tpu.memory_space<vmem>>
    %dma_start3A_109 = tpu.memref_squeeze %dma_start3A_108 : memref<1x1024xf32, #tpu.memory_space<vmem>> -> memref<1024xf32, #tpu.memory_space<vmem>>
    %dma_start3A_110 = arith.constant 0 : i32
    %dma_start3A_111 = tpu.memref_slice %arg6[%dma_start3A_105, %dma_start3A_110] : memref<16x100000xf32, #tpu.memory_space<vmem_shared>> -> memref<1x100000xf32, #tpu.memory_space<vmem_shared>>
    %dma_start3A_112 = tpu.memref_squeeze %dma_start3A_111 : memref<1x100000xf32, #tpu.memory_space<vmem_shared>> -> memref<100000xf32, #tpu.memory_space<vmem_shared>>
    %dma_start3A_113 = arith.constant 0 : i32
    %dma_start3A_114 = tpu.memref_slice %dma_start3A_112[%dma_start3A_113] : memref<100000xf32, #tpu.memory_space<vmem_shared>> -> memref<100000xf32, #tpu.memory_space<vmem_shared>>
    tpu.enqueue_indirect_dma source(%dma_start3A_114 : memref<100000xf32, #tpu.memory_space<vmem_shared>>) target(%dma_start3A_109 : memref<1024xf32, #tpu.memory_space<vmem>>) offsets(%arg7 : memref<1024xi32, #tpu.memory_space<vmem>>) semaphore(%arg12 : memref<!tpu.dma_semaphore, #tpu.memory_space<semaphore_mem>>)
    %dma_start3A_115 = arith.constant 10 : i32
    %dma_start3A_116 = arith.constant 10 : i32
    %dma_start3A_117 = arith.constant 0 : i32
    %dma_start3A_118 = tpu.memref_slice %arg9[%dma_start3A_116, %dma_start3A_117] : memref<16x1024xf32, #tpu.memory_space<vmem>> -> memref<1x1024xf32, #tpu.memory_space<vmem>>
    %dma_start3A_119 = tpu.memref_squeeze %dma_start3A_118 : memref<1x1024xf32, #tpu.memory_space<vmem>> -> memref<1024xf32, #tpu.memory_space<vmem>>
    %dma_start3A_120 = arith.constant 0 : i32
    %dma_start3A_121 = tpu.memref_slice %arg6[%dma_start3A_115, %dma_start3A_120] : memref<16x100000xf32, #tpu.memory_space<vmem_shared>> -> memref<1x100000xf32, #tpu.memory_space<vmem_shared>>
    %dma_start3A_122 = tpu.memref_squeeze %dma_start3A_121 : memref<1x100000xf32, #tpu.memory_space<vmem_shared>> -> memref<100000xf32, #tpu.memory_space<vmem_shared>>
    %dma_start3A_123 = arith.constant 0 : i32
    %dma_start3A_124 = tpu.memref_slice %dma_start3A_122[%dma_start3A_123] : memref<100000xf32, #tpu.memory_space<vmem_shared>> -> memref<100000xf32, #tpu.memory_space<vmem_shared>>
    tpu.enqueue_indirect_dma source(%dma_start3A_124 : memref<100000xf32, #tpu.memory_space<vmem_shared>>) target(%dma_start3A_119 : memref<1024xf32, #tpu.memory_space<vmem>>) offsets(%arg7 : memref<1024xi32, #tpu.memory_space<vmem>>) semaphore(%arg12 : memref<!tpu.dma_semaphore, #tpu.memory_space<semaphore_mem>>)
    %dma_start3A_125 = arith.constant 11 : i32
    %dma_start3A_126 = arith.constant 11 : i32
    %dma_start3A_127 = arith.constant 0 : i32
    %dma_start3A_128 = tpu.memref_slice %arg9[%dma_start3A_126, %dma_start3A_127] : memref<16x1024xf32, #tpu.memory_space<vmem>> -> memref<1x1024xf32, #tpu.memory_space<vmem>>
    %dma_start3A_129 = tpu.memref_squeeze %dma_start3A_128 : memref<1x1024xf32, #tpu.memory_space<vmem>> -> memref<1024xf32, #tpu.memory_space<vmem>>
    %dma_start3A_130 = arith.constant 0 : i32
    %dma_start3A_131 = tpu.memref_slice %arg6[%dma_start3A_125, %dma_start3A_130] : memref<16x100000xf32, #tpu.memory_space<vmem_shared>> -> memref<1x100000xf32, #tpu.memory_space<vmem_shared>>
    %dma_start3A_132 = tpu.memref_squeeze %dma_start3A_131 : memref<1x100000xf32, #tpu.memory_space<vmem_shared>> -> memref<100000xf32, #tpu.memory_space<vmem_shared>>
    %dma_start3A_133 = arith.constant 0 : i32
    %dma_start3A_134 = tpu.memref_slice %dma_start3A_132[%dma_start3A_133] : memref<100000xf32, #tpu.memory_space<vmem_shared>> -> memref<100000xf32, #tpu.memory_space<vmem_shared>>
    tpu.enqueue_indirect_dma source(%dma_start3A_134 : memref<100000xf32, #tpu.memory_space<vmem_shared>>) target(%dma_start3A_129 : memref<1024xf32, #tpu.memory_space<vmem>>) offsets(%arg7 : memref<1024xi32, #tpu.memory_space<vmem>>) semaphore(%arg12 : memref<!tpu.dma_semaphore, #tpu.memory_space<semaphore_mem>>)
    %dma_start3A_135 = arith.constant 12 : i32
    %dma_start3A_136 = arith.constant 12 : i32
    %dma_start3A_137 = arith.constant 0 : i32
    %dma_start3A_138 = tpu.memref_slice %arg9[%dma_start3A_136, %dma_start3A_137] : memref<16x1024xf32, #tpu.memory_space<vmem>> -> memref<1x1024xf32, #tpu.memory_space<vmem>>
    %dma_start3A_139 = tpu.memref_squeeze %dma_start3A_138 : memref<1x1024xf32, #tpu.memory_space<vmem>> -> memref<1024xf32, #tpu.memory_space<vmem>>
    %dma_start3A_140 = arith.constant 0 : i32
    %dma_start3A_141 = tpu.memref_slice %arg6[%dma_start3A_135, %dma_start3A_140] : memref<16x100000xf32, #tpu.memory_space<vmem_shared>> -> memref<1x100000xf32, #tpu.memory_space<vmem_shared>>
    %dma_start3A_142 = tpu.memref_squeeze %dma_start3A_141 : memref<1x100000xf32, #tpu.memory_space<vmem_shared>> -> memref<100000xf32, #tpu.memory_space<vmem_shared>>
    %dma_start3A_143 = arith.constant 0 : i32
    %dma_start3A_144 = tpu.memref_slice %dma_start3A_142[%dma_start3A_143] : memref<100000xf32, #tpu.memory_space<vmem_shared>> -> memref<100000xf32, #tpu.memory_space<vmem_shared>>
    tpu.enqueue_indirect_dma source(%dma_start3A_144 : memref<100000xf32, #tpu.memory_space<vmem_shared>>) target(%dma_start3A_139 : memref<1024xf32, #tpu.memory_space<vmem>>) offsets(%arg7 : memref<1024xi32, #tpu.memory_space<vmem>>) semaphore(%arg12 : memref<!tpu.dma_semaphore, #tpu.memory_space<semaphore_mem>>)
    %dma_start3A_145 = arith.constant 13 : i32
    %dma_start3A_146 = arith.constant 13 : i32
    %dma_start3A_147 = arith.constant 0 : i32
    %dma_start3A_148 = tpu.memref_slice %arg9[%dma_start3A_146, %dma_start3A_147] : memref<16x1024xf32, #tpu.memory_space<vmem>> -> memref<1x1024xf32, #tpu.memory_space<vmem>>
    %dma_start3A_149 = tpu.memref_squeeze %dma_start3A_148 : memref<1x1024xf32, #tpu.memory_space<vmem>> -> memref<1024xf32, #tpu.memory_space<vmem>>
    %dma_start3A_150 = arith.constant 0 : i32
    %dma_start3A_151 = tpu.memref_slice %arg6[%dma_start3A_145, %dma_start3A_150] : memref<16x100000xf32, #tpu.memory_space<vmem_shared>> -> memref<1x100000xf32, #tpu.memory_space<vmem_shared>>
    %dma_start3A_152 = tpu.memref_squeeze %dma_start3A_151 : memref<1x100000xf32, #tpu.memory_space<vmem_shared>> -> memref<100000xf32, #tpu.memory_space<vmem_shared>>
    %dma_start3A_153 = arith.constant 0 : i32
    %dma_start3A_154 = tpu.memref_slice %dma_start3A_152[%dma_start3A_153] : memref<100000xf32, #tpu.memory_space<vmem_shared>> -> memref<100000xf32, #tpu.memory_space<vmem_shared>>
    tpu.enqueue_indirect_dma source(%dma_start3A_154 : memref<100000xf32, #tpu.memory_space<vmem_shared>>) target(%dma_start3A_149 : memref<1024xf32, #tpu.memory_space<vmem>>) offsets(%arg7 : memref<1024xi32, #tpu.memory_space<vmem>>) semaphore(%arg12 : memref<!tpu.dma_semaphore, #tpu.memory_space<semaphore_mem>>)
    %dma_start3A_155 = arith.constant 14 : i32
    %dma_start3A_156 = arith.constant 14 : i32
    %dma_start3A_157 = arith.constant 0 : i32
    %dma_start3A_158 = tpu.memref_slice %arg9[%dma_start3A_156, %dma_start3A_157] : memref<16x1024xf32, #tpu.memory_space<vmem>> -> memref<1x1024xf32, #tpu.memory_space<vmem>>
    %dma_start3A_159 = tpu.memref_squeeze %dma_start3A_158 : memref<1x1024xf32, #tpu.memory_space<vmem>> -> memref<1024xf32, #tpu.memory_space<vmem>>
    %dma_start3A_160 = arith.constant 0 : i32
    %dma_start3A_161 = tpu.memref_slice %arg6[%dma_start3A_155, %dma_start3A_160] : memref<16x100000xf32, #tpu.memory_space<vmem_shared>> -> memref<1x100000xf32, #tpu.memory_space<vmem_shared>>
    %dma_start3A_162 = tpu.memref_squeeze %dma_start3A_161 : memref<1x100000xf32, #tpu.memory_space<vmem_shared>> -> memref<100000xf32, #tpu.memory_space<vmem_shared>>
    %dma_start3A_163 = arith.constant 0 : i32
    %dma_start3A_164 = tpu.memref_slice %dma_start3A_162[%dma_start3A_163] : memref<100000xf32, #tpu.memory_space<vmem_shared>> -> memref<100000xf32, #tpu.memory_space<vmem_shared>>
    tpu.enqueue_indirect_dma source(%dma_start3A_164 : memref<100000xf32, #tpu.memory_space<vmem_shared>>) target(%dma_start3A_159 : memref<1024xf32, #tpu.memory_space<vmem>>) offsets(%arg7 : memref<1024xi32, #tpu.memory_space<vmem>>) semaphore(%arg12 : memref<!tpu.dma_semaphore, #tpu.memory_space<semaphore_mem>>)
    %dma_start3A_165 = arith.constant 15 : i32
    %dma_start3A_166 = arith.constant 15 : i32
    %dma_start3A_167 = arith.constant 0 : i32
    %dma_start3A_168 = tpu.memref_slice %arg9[%dma_start3A_166, %dma_start3A_167] : memref<16x1024xf32, #tpu.memory_space<vmem>> -> memref<1x1024xf32, #tpu.memory_space<vmem>>
    %dma_start3A_169 = tpu.memref_squeeze %dma_start3A_168 : memref<1x1024xf32, #tpu.memory_space<vmem>> -> memref<1024xf32, #tpu.memory_space<vmem>>
    %dma_start3A_170 = arith.constant 0 : i32
    %dma_start3A_171 = tpu.memref_slice %arg6[%dma_start3A_165, %dma_start3A_170] : memref<16x100000xf32, #tpu.memory_space<vmem_shared>> -> memref<1x100000xf32, #tpu.memory_space<vmem_shared>>
    %dma_start3A_172 = tpu.memref_squeeze %dma_start3A_171 : memref<1x100000xf32, #tpu.memory_space<vmem_shared>> -> memref<100000xf32, #tpu.memory_space<vmem_shared>>
    %dma_start3A_173 = arith.constant 0 : i32
    %dma_start3A_174 = tpu.memref_slice %dma_start3A_172[%dma_start3A_173] : memref<100000xf32, #tpu.memory_space<vmem_shared>> -> memref<100000xf32, #tpu.memory_space<vmem_shared>>
    tpu.enqueue_indirect_dma source(%dma_start3A_174 : memref<100000xf32, #tpu.memory_space<vmem_shared>>) target(%dma_start3A_169 : memref<1024xf32, #tpu.memory_space<vmem>>) offsets(%arg7 : memref<1024xi32, #tpu.memory_space<vmem>>) semaphore(%arg12 : memref<!tpu.dma_semaphore, #tpu.memory_space<semaphore_mem>>)
    %dma_wait3A_175 = arith.constant 0 : i32
    %dma_wait3A_176 = arith.constant 0 : i32
    %dma_wait3A_177 = arith.constant 0 : i32
    %dma_wait3A_178 = tpu.memref_slice %arg9[%dma_wait3A_176, %dma_wait3A_177] : memref<16x1024xf32, #tpu.memory_space<vmem>> -> memref<1x1024xf32, #tpu.memory_space<vmem>>
    %dma_wait3A_179 = tpu.memref_squeeze %dma_wait3A_178 : memref<1x1024xf32, #tpu.memory_space<vmem>> -> memref<1024xf32, #tpu.memory_space<vmem>>
    %dma_wait3A_180 = arith.constant 0 : i32
    %dma_wait3A_181 = tpu.memref_slice %arg6[%dma_wait3A_175, %dma_wait3A_180] : memref<16x100000xf32, #tpu.memory_space<vmem_shared>> -> memref<1x100000xf32, #tpu.memory_space<vmem_shared>>
    %dma_wait3A_182 = tpu.memref_squeeze %dma_wait3A_181 : memref<1x100000xf32, #tpu.memory_space<vmem_shared>> -> memref<100000xf32, #tpu.memory_space<vmem_shared>>
    %dma_wait3A_183 = arith.constant 0 : i32
    %dma_wait3A_184 = tpu.memref_slice %dma_wait3A_182[%dma_wait3A_183] : memref<100000xf32, #tpu.memory_space<vmem_shared>> -> memref<100000xf32, #tpu.memory_space<vmem_shared>>
    tpu.wait_indirect_dma semaphore(%arg12 : memref<!tpu.dma_semaphore, #tpu.memory_space<semaphore_mem>>) src(%dma_wait3A_184 : memref<100000xf32, #tpu.memory_space<vmem_shared>>) dst(%dma_wait3A_179 : memref<1024xf32, #tpu.memory_space<vmem>>)
    %scan3A = arith.constant 0 : i32
    %scan3A_185 = arith.constant 0 : i32
    %scan3A_186 = arith.constant 64 : i32
    %scan3A_187 = arith.addi %scan3A_185, %scan3A_186 : i32
    %scan3A_188 = arith.constant 1 : i32
    scf.for %scan3A_430 = %scan3A_185 to %scan3A_187 step %scan3A_188  : i32 {
      %mul3A_431 = arith.constant 16 : i32
      %mul3A_432 = arith.muli %scan3A_430, %mul3A_431 : i32
      %get3A = arith.constant 0 : i32
      %get3A_433 = arith.index_cast %get3A : i32 to index
      %get3A_434 = arith.index_cast %mul3A_432 : i32 to index
      %get3A_435 = tpu.vector_load %arg9[%get3A_433, %get3A_434] {strides = array<i32>} : memref<16x1024xf32, #tpu.memory_space<vmem>>, vector<1x16xf32>,
      %get3A_436 = vector.shape_cast %get3A_435 : vector<1x16xf32> to vector<16xf32>
      %get3A_437 = arith.constant 0 : i32
      %get3A_438 = arith.index_cast %get3A_437 : i32 to index
      %get3A_439 = arith.constant 0 : index
      %get3A_440 = tpu.vector_load %arg8[%get3A_438, %get3A_439] {strides = array<i32>} : memref<16x16xf32, #tpu.memory_space<vmem>>, vector<1x16xf32>,
      %get3A_441 = vector.shape_cast %get3A_440 : vector<1x16xf32> to vector<16xf32>
      %mul3A_442 = arith.mulf %get3A_436, %get3A_441 : vector<16xf32>
      %neg3A = arith.constant 0.000000e+00 : f32
      %neg3A_443 = vector.broadcast %neg3A : f32 to vector<16xf32>
      %neg3A_444 = arith.subf %neg3A_443, %get3A_436 : vector<16xf32>
      %exp3A = math.exp %neg3A_444 : vector<16xf32>
      %add3A_445 = arith.constant 1.000000e+00 : f32
      %add3A_446 = vector.broadcast %add3A_445 : f32 to vector<16xf32>
      %add3A_447 = arith.addf %add3A_446, %exp3A : vector<16xf32>
      %div3A = arith.divf %mul3A_442, %add3A_447 : vector<16xf32>
      %mul3A_448 = arith.constant 16 : i32
      %mul3A_449 = arith.muli %scan3A_430, %mul3A_448 : i32
      %swap3A = arith.index_cast %mul3A_449 : i32 to index
      %swap3A_450 = tpu.vector_load %arg10[%swap3A] {strides = array<i32>} : memref<1024xf32, #tpu.memory_space<vmem>>, vector<16xf32>,
      %swap3A_451 = vector.shape_cast %swap3A_450 : vector<16xf32> to vector<16xf32>
      %swap3A_452 = vector.shape_cast %div3A : vector<16xf32> to vector<16xf32>
      tpu.vector_store %arg10[%swap3A], %swap3A_452 {strides = array<i32>} : memref<1024xf32, #tpu.memory_space<vmem>>, vector<16xf32>,
    }
    %scan3A_189 = arith.constant 64 : i32
    %dma_wait3A_190 = arith.constant 1 : i32
    %dma_wait3A_191 = arith.constant 1 : i32
    %dma_wait3A_192 = arith.constant 0 : i32
    %dma_wait3A_193 = tpu.memref_slice %arg9[%dma_wait3A_191, %dma_wait3A_192] : memref<16x1024xf32, #tpu.memory_space<vmem>> -> memref<1x1024xf32, #tpu.memory_space<vmem>>
    %dma_wait3A_194 = tpu.memref_squeeze %dma_wait3A_193 : memref<1x1024xf32, #tpu.memory_space<vmem>> -> memref<1024xf32, #tpu.memory_space<vmem>>
    %dma_wait3A_195 = arith.constant 0 : i32
    %dma_wait3A_196 = tpu.memref_slice %arg6[%dma_wait3A_190, %dma_wait3A_195] : memref<16x100000xf32, #tpu.memory_space<vmem_shared>> -> memref<1x100000xf32, #tpu.memory_space<vmem_shared>>
    %dma_wait3A_197 = tpu.memref_squeeze %dma_wait3A_196 : memref<1x100000xf32, #tpu.memory_space<vmem_shared>> -> memref<100000xf32, #tpu.memory_space<vmem_shared>>
    %dma_wait3A_198 = arith.constant 0 : i32
    %dma_wait3A_199 = tpu.memref_slice %dma_wait3A_197[%dma_wait3A_198] : memref<100000xf32, #tpu.memory_space<vmem_shared>> -> memref<100000xf32, #tpu.memory_space<vmem_shared>>
    tpu.wait_indirect_dma semaphore(%arg12 : memref<!tpu.dma_semaphore, #tpu.memory_space<semaphore_mem>>) src(%dma_wait3A_199 : memref<100000xf32, #tpu.memory_space<vmem_shared>>) dst(%dma_wait3A_194 : memref<1024xf32, #tpu.memory_space<vmem>>)
    %scan3A_200 = arith.constant 0 : i32
    %scan3A_201 = arith.constant 0 : i32
    %scan3A_202 = arith.constant 64 : i32
    %scan3A_203 = arith.addi %scan3A_201, %scan3A_202 : i32
    %scan3A_204 = arith.constant 1 : i32
    scf.for %scan3A_430 = %scan3A_201 to %scan3A_203 step %scan3A_204  : i32 {
      %mul3A_431 = arith.constant 16 : i32
      %mul3A_432 = arith.muli %scan3A_430, %mul3A_431 : i32
      %get3A = arith.constant 1 : i32
      %get3A_433 = arith.index_cast %get3A : i32 to index
      %get3A_434 = arith.index_cast %mul3A_432 : i32 to index
      %get3A_435 = tpu.vector_load %arg9[%get3A_433, %get3A_434] {strides = array<i32>} : memref<16x1024xf32, #tpu.memory_space<vmem>>, vector<1x16xf32>,
      %get3A_436 = vector.shape_cast %get3A_435 : vector<1x16xf32> to vector<16xf32>
      %get3A_437 = arith.constant 1 : i32
      %get3A_438 = arith.index_cast %get3A_437 : i32 to index
      %get3A_439 = arith.constant 0 : index
      %get3A_440 = tpu.vector_load %arg8[%get3A_438, %get3A_439] {strides = array<i32>} : memref<16x16xf32, #tpu.memory_space<vmem>>, vector<1x16xf32>,
      %get3A_441 = vector.shape_cast %get3A_440 : vector<1x16xf32> to vector<16xf32>
      %mul3A_442 = arith.mulf %get3A_436, %get3A_441 : vector<16xf32>
      %neg3A = arith.constant 0.000000e+00 : f32
      %neg3A_443 = vector.broadcast %neg3A : f32 to vector<16xf32>
      %neg3A_444 = arith.subf %neg3A_443, %get3A_436 : vector<16xf32>
      %exp3A = math.exp %neg3A_444 : vector<16xf32>
      %add3A_445 = arith.constant 1.000000e+00 : f32
      %add3A_446 = vector.broadcast %add3A_445 : f32 to vector<16xf32>
      %add3A_447 = arith.addf %add3A_446, %exp3A : vector<16xf32>
      %div3A = arith.divf %mul3A_442, %add3A_447 : vector<16xf32>
      %mul3A_448 = arith.constant 16 : i32
      %mul3A_449 = arith.muli %scan3A_430, %mul3A_448 : i32
      %get3A_450 = arith.index_cast %mul3A_449 : i32 to index
      %get3A_451 = tpu.vector_load %arg10[%get3A_450] {strides = array<i32>} : memref<1024xf32, #tpu.memory_space<vmem>>, vector<16xf32>,
      %get3A_452 = vector.shape_cast %get3A_451 : vector<16xf32> to vector<16xf32>
      %add3A_453 = arith.addf %get3A_452, %div3A : vector<16xf32>
      %swap3A = arith.index_cast %mul3A_449 : i32 to index
      %swap3A_454 = tpu.vector_load %arg10[%swap3A] {strides = array<i32>} : memref<1024xf32, #tpu.memory_space<vmem>>, vector<16xf32>,
      %swap3A_455 = vector.shape_cast %swap3A_454 : vector<16xf32> to vector<16xf32>
      %swap3A_456 = vector.shape_cast %add3A_453 : vector<16xf32> to vector<16xf32>
      tpu.vector_store %arg10[%swap3A], %swap3A_456 {strides = array<i32>} : memref<1024xf32, #tpu.memory_space<vmem>>, vector<16xf32>,
    }
    %scan3A_205 = arith.constant 64 : i32
    %dma_wait3A_206 = arith.constant 2 : i32
    %dma_wait3A_207 = arith.constant 2 : i32
    %dma_wait3A_208 = arith.constant 0 : i32
    %dma_wait3A_209 = tpu.memref_slice %arg9[%dma_wait3A_207, %dma_wait3A_208] : memref<16x1024xf32, #tpu.memory_space<vmem>> -> memref<1x1024xf32, #tpu.memory_space<vmem>>
    %dma_wait3A_210 = tpu.memref_squeeze %dma_wait3A_209 : memref<1x1024xf32, #tpu.memory_space<vmem>> -> memref<1024xf32, #tpu.memory_space<vmem>>
    %dma_wait3A_211 = arith.constant 0 : i32
    %dma_wait3A_212 = tpu.memref_slice %arg6[%dma_wait3A_206, %dma_wait3A_211] : memref<16x100000xf32, #tpu.memory_space<vmem_shared>> -> memref<1x100000xf32, #tpu.memory_space<vmem_shared>>
    %dma_wait3A_213 = tpu.memref_squeeze %dma_wait3A_212 : memref<1x100000xf32, #tpu.memory_space<vmem_shared>> -> memref<100000xf32, #tpu.memory_space<vmem_shared>>
    %dma_wait3A_214 = arith.constant 0 : i32
    %dma_wait3A_215 = tpu.memref_slice %dma_wait3A_213[%dma_wait3A_214] : memref<100000xf32, #tpu.memory_space<vmem_shared>> -> memref<100000xf32, #tpu.memory_space<vmem_shared>>
    tpu.wait_indirect_dma semaphore(%arg12 : memref<!tpu.dma_semaphore, #tpu.memory_space<semaphore_mem>>) src(%dma_wait3A_215 : memref<100000xf32, #tpu.memory_space<vmem_shared>>) dst(%dma_wait3A_210 : memref<1024xf32, #tpu.memory_space<vmem>>)
    %scan3A_216 = arith.constant 0 : i32
    %scan3A_217 = arith.constant 0 : i32
    %scan3A_218 = arith.constant 64 : i32
    %scan3A_219 = arith.addi %scan3A_217, %scan3A_218 : i32
    %scan3A_220 = arith.constant 1 : i32
    scf.for %scan3A_430 = %scan3A_217 to %scan3A_219 step %scan3A_220  : i32 {
      %mul3A_431 = arith.constant 16 : i32
      %mul3A_432 = arith.muli %scan3A_430, %mul3A_431 : i32
      %get3A = arith.constant 2 : i32
      %get3A_433 = arith.index_cast %get3A : i32 to index
      %get3A_434 = arith.index_cast %mul3A_432 : i32 to index
      %get3A_435 = tpu.vector_load %arg9[%get3A_433, %get3A_434] {strides = array<i32>} : memref<16x1024xf32, #tpu.memory_space<vmem>>, vector<1x16xf32>,
      %get3A_436 = vector.shape_cast %get3A_435 : vector<1x16xf32> to vector<16xf32>
      %get3A_437 = arith.constant 2 : i32
      %get3A_438 = arith.index_cast %get3A_437 : i32 to index
      %get3A_439 = arith.constant 0 : index
      %get3A_440 = tpu.vector_load %arg8[%get3A_438, %get3A_439] {strides = array<i32>} : memref<16x16xf32, #tpu.memory_space<vmem>>, vector<1x16xf32>,
      %get3A_441 = vector.shape_cast %get3A_440 : vector<1x16xf32> to vector<16xf32>
      %mul3A_442 = arith.mulf %get3A_436, %get3A_441 : vector<16xf32>
      %neg3A = arith.constant 0.000000e+00 : f32
      %neg3A_443 = vector.broadcast %neg3A : f32 to vector<16xf32>
      %neg3A_444 = arith.subf %neg3A_443, %get3A_436 : vector<16xf32>
      %exp3A = math.exp %neg3A_444 : vector<16xf32>
      %add3A_445 = arith.constant 1.000000e+00 : f32
      %add3A_446 = vector.broadcast %add3A_445 : f32 to vector<16xf32>
      %add3A_447 = arith.addf %add3A_446, %exp3A : vector<16xf32>
      %div3A = arith.divf %mul3A_442, %add3A_447 : vector<16xf32>
      %mul3A_448 = arith.constant 16 : i32
      %mul3A_449 = arith.muli %scan3A_430, %mul3A_448 : i32
      %get3A_450 = arith.index_cast %mul3A_449 : i32 to index
      %get3A_451 = tpu.vector_load %arg10[%get3A_450] {strides = array<i32>} : memref<1024xf32, #tpu.memory_space<vmem>>, vector<16xf32>,
      %get3A_452 = vector.shape_cast %get3A_451 : vector<16xf32> to vector<16xf32>
      %add3A_453 = arith.addf %get3A_452, %div3A : vector<16xf32>
      %swap3A = arith.index_cast %mul3A_449 : i32 to index
      %swap3A_454 = tpu.vector_load %arg10[%swap3A] {strides = array<i32>} : memref<1024xf32, #tpu.memory_space<vmem>>, vector<16xf32>,
      %swap3A_455 = vector.shape_cast %swap3A_454 : vector<16xf32> to vector<16xf32>
      %swap3A_456 = vector.shape_cast %add3A_453 : vector<16xf32> to vector<16xf32>
      tpu.vector_store %arg10[%swap3A], %swap3A_456 {strides = array<i32>} : memref<1024xf32, #tpu.memory_space<vmem>>, vector<16xf32>,
    }
    %scan3A_221 = arith.constant 64 : i32
    %dma_wait3A_222 = arith.constant 3 : i32
    %dma_wait3A_223 = arith.constant 3 : i32
    %dma_wait3A_224 = arith.constant 0 : i32
    %dma_wait3A_225 = tpu.memref_slice %arg9[%dma_wait3A_223, %dma_wait3A_224] : memref<16x1024xf32, #tpu.memory_space<vmem>> -> memref<1x1024xf32, #tpu.memory_space<vmem>>
    %dma_wait3A_226 = tpu.memref_squeeze %dma_wait3A_225 : memref<1x1024xf32, #tpu.memory_space<vmem>> -> memref<1024xf32, #tpu.memory_space<vmem>>
    %dma_wait3A_227 = arith.constant 0 : i32
    %dma_wait3A_228 = tpu.memref_slice %arg6[%dma_wait3A_222, %dma_wait3A_227] : memref<16x100000xf32, #tpu.memory_space<vmem_shared>> -> memref<1x100000xf32, #tpu.memory_space<vmem_shared>>
    %dma_wait3A_229 = tpu.memref_squeeze %dma_wait3A_228 : memref<1x100000xf32, #tpu.memory_space<vmem_shared>> -> memref<100000xf32, #tpu.memory_space<vmem_shared>>
    %dma_wait3A_230 = arith.constant 0 : i32
    %dma_wait3A_231 = tpu.memref_slice %dma_wait3A_229[%dma_wait3A_230] : memref<100000xf32, #tpu.memory_space<vmem_shared>> -> memref<100000xf32, #tpu.memory_space<vmem_shared>>
    tpu.wait_indirect_dma semaphore(%arg12 : memref<!tpu.dma_semaphore, #tpu.memory_space<semaphore_mem>>) src(%dma_wait3A_231 : memref<100000xf32, #tpu.memory_space<vmem_shared>>) dst(%dma_wait3A_226 : memref<1024xf32, #tpu.memory_space<vmem>>)
    %scan3A_232 = arith.constant 0 : i32
    %scan3A_233 = arith.constant 0 : i32
    %scan3A_234 = arith.constant 64 : i32
    %scan3A_235 = arith.addi %scan3A_233, %scan3A_234 : i32
    %scan3A_236 = arith.constant 1 : i32
    scf.for %scan3A_430 = %scan3A_233 to %scan3A_235 step %scan3A_236  : i32 {
      %mul3A_431 = arith.constant 16 : i32
      %mul3A_432 = arith.muli %scan3A_430, %mul3A_431 : i32
      %get3A = arith.constant 3 : i32
      %get3A_433 = arith.index_cast %get3A : i32 to index
      %get3A_434 = arith.index_cast %mul3A_432 : i32 to index
      %get3A_435 = tpu.vector_load %arg9[%get3A_433, %get3A_434] {strides = array<i32>} : memref<16x1024xf32, #tpu.memory_space<vmem>>, vector<1x16xf32>,
      %get3A_436 = vector.shape_cast %get3A_435 : vector<1x16xf32> to vector<16xf32>
      %get3A_437 = arith.constant 3 : i32
      %get3A_438 = arith.index_cast %get3A_437 : i32 to index
      %get3A_439 = arith.constant 0 : index
      %get3A_440 = tpu.vector_load %arg8[%get3A_438, %get3A_439] {strides = array<i32>} : memref<16x16xf32, #tpu.memory_space<vmem>>, vector<1x16xf32>,
      %get3A_441 = vector.shape_cast %get3A_440 : vector<1x16xf32> to vector<16xf32>
      %mul3A_442 = arith.mulf %get3A_436, %get3A_441 : vector<16xf32>
      %neg3A = arith.constant 0.000000e+00 : f32
      %neg3A_443 = vector.broadcast %neg3A : f32 to vector<16xf32>
      %neg3A_444 = arith.subf %neg3A_443, %get3A_436 : vector<16xf32>
      %exp3A = math.exp %neg3A_444 : vector<16xf32>
      %add3A_445 = arith.constant 1.000000e+00 : f32
      %add3A_446 = vector.broadcast %add3A_445 : f32 to vector<16xf32>
      %add3A_447 = arith.addf %add3A_446, %exp3A : vector<16xf32>
      %div3A = arith.divf %mul3A_442, %add3A_447 : vector<16xf32>
      %mul3A_448 = arith.constant 16 : i32
      %mul3A_449 = arith.muli %scan3A_430, %mul3A_448 : i32
      %get3A_450 = arith.index_cast %mul3A_449 : i32 to index
      %get3A_451 = tpu.vector_load %arg10[%get3A_450] {strides = array<i32>} : memref<1024xf32, #tpu.memory_space<vmem>>, vector<16xf32>,
      %get3A_452 = vector.shape_cast %get3A_451 : vector<16xf32> to vector<16xf32>
      %add3A_453 = arith.addf %get3A_452, %div3A : vector<16xf32>
      %swap3A = arith.index_cast %mul3A_449 : i32 to index
      %swap3A_454 = tpu.vector_load %arg10[%swap3A] {strides = array<i32>} : memref<1024xf32, #tpu.memory_space<vmem>>, vector<16xf32>,
      %swap3A_455 = vector.shape_cast %swap3A_454 : vector<16xf32> to vector<16xf32>
      %swap3A_456 = vector.shape_cast %add3A_453 : vector<16xf32> to vector<16xf32>
      tpu.vector_store %arg10[%swap3A], %swap3A_456 {strides = array<i32>} : memref<1024xf32, #tpu.memory_space<vmem>>, vector<16xf32>,
    }
    %scan3A_237 = arith.constant 64 : i32
    %dma_wait3A_238 = arith.constant 4 : i32
    %dma_wait3A_239 = arith.constant 4 : i32
    %dma_wait3A_240 = arith.constant 0 : i32
    %dma_wait3A_241 = tpu.memref_slice %arg9[%dma_wait3A_239, %dma_wait3A_240] : memref<16x1024xf32, #tpu.memory_space<vmem>> -> memref<1x1024xf32, #tpu.memory_space<vmem>>
    %dma_wait3A_242 = tpu.memref_squeeze %dma_wait3A_241 : memref<1x1024xf32, #tpu.memory_space<vmem>> -> memref<1024xf32, #tpu.memory_space<vmem>>
    %dma_wait3A_243 = arith.constant 0 : i32
    %dma_wait3A_244 = tpu.memref_slice %arg6[%dma_wait3A_238, %dma_wait3A_243] : memref<16x100000xf32, #tpu.memory_space<vmem_shared>> -> memref<1x100000xf32, #tpu.memory_space<vmem_shared>>
    %dma_wait3A_245 = tpu.memref_squeeze %dma_wait3A_244 : memref<1x100000xf32, #tpu.memory_space<vmem_shared>> -> memref<100000xf32, #tpu.memory_space<vmem_shared>>
    %dma_wait3A_246 = arith.constant 0 : i32
    %dma_wait3A_247 = tpu.memref_slice %dma_wait3A_245[%dma_wait3A_246] : memref<100000xf32, #tpu.memory_space<vmem_shared>> -> memref<100000xf32, #tpu.memory_space<vmem_shared>>
    tpu.wait_indirect_dma semaphore(%arg12 : memref<!tpu.dma_semaphore, #tpu.memory_space<semaphore_mem>>) src(%dma_wait3A_247 : memref<100000xf32, #tpu.memory_space<vmem_shared>>) dst(%dma_wait3A_242 : memref<1024xf32, #tpu.memory_space<vmem>>)
    %scan3A_248 = arith.constant 0 : i32
    %scan3A_249 = arith.constant 0 : i32
    %scan3A_250 = arith.constant 64 : i32
    %scan3A_251 = arith.addi %scan3A_249, %scan3A_250 : i32
    %scan3A_252 = arith.constant 1 : i32
    scf.for %scan3A_430 = %scan3A_249 to %scan3A_251 step %scan3A_252  : i32 {
      %mul3A_431 = arith.constant 16 : i32
      %mul3A_432 = arith.muli %scan3A_430, %mul3A_431 : i32
      %get3A = arith.constant 4 : i32
      %get3A_433 = arith.index_cast %get3A : i32 to index
      %get3A_434 = arith.index_cast %mul3A_432 : i32 to index
      %get3A_435 = tpu.vector_load %arg9[%get3A_433, %get3A_434] {strides = array<i32>} : memref<16x1024xf32, #tpu.memory_space<vmem>>, vector<1x16xf32>,
      %get3A_436 = vector.shape_cast %get3A_435 : vector<1x16xf32> to vector<16xf32>
      %get3A_437 = arith.constant 4 : i32
      %get3A_438 = arith.index_cast %get3A_437 : i32 to index
      %get3A_439 = arith.constant 0 : index
      %get3A_440 = tpu.vector_load %arg8[%get3A_438, %get3A_439] {strides = array<i32>} : memref<16x16xf32, #tpu.memory_space<vmem>>, vector<1x16xf32>,
      %get3A_441 = vector.shape_cast %get3A_440 : vector<1x16xf32> to vector<16xf32>
      %mul3A_442 = arith.mulf %get3A_436, %get3A_441 : vector<16xf32>
      %neg3A = arith.constant 0.000000e+00 : f32
      %neg3A_443 = vector.broadcast %neg3A : f32 to vector<16xf32>
      %neg3A_444 = arith.subf %neg3A_443, %get3A_436 : vector<16xf32>
      %exp3A = math.exp %neg3A_444 : vector<16xf32>
      %add3A_445 = arith.constant 1.000000e+00 : f32
      %add3A_446 = vector.broadcast %add3A_445 : f32 to vector<16xf32>
      %add3A_447 = arith.addf %add3A_446, %exp3A : vector<16xf32>
      %div3A = arith.divf %mul3A_442, %add3A_447 : vector<16xf32>
      %mul3A_448 = arith.constant 16 : i32
      %mul3A_449 = arith.muli %scan3A_430, %mul3A_448 : i32
      %get3A_450 = arith.index_cast %mul3A_449 : i32 to index
      %get3A_451 = tpu.vector_load %arg10[%get3A_450] {strides = array<i32>} : memref<1024xf32, #tpu.memory_space<vmem>>, vector<16xf32>,
      %get3A_452 = vector.shape_cast %get3A_451 : vector<16xf32> to vector<16xf32>
      %add3A_453 = arith.addf %get3A_452, %div3A : vector<16xf32>
      %swap3A = arith.index_cast %mul3A_449 : i32 to index
      %swap3A_454 = tpu.vector_load %arg10[%swap3A] {strides = array<i32>} : memref<1024xf32, #tpu.memory_space<vmem>>, vector<16xf32>,
      %swap3A_455 = vector.shape_cast %swap3A_454 : vector<16xf32> to vector<16xf32>
      %swap3A_456 = vector.shape_cast %add3A_453 : vector<16xf32> to vector<16xf32>
      tpu.vector_store %arg10[%swap3A], %swap3A_456 {strides = array<i32>} : memref<1024xf32, #tpu.memory_space<vmem>>, vector<16xf32>,
    }
    %scan3A_253 = arith.constant 64 : i32
    %dma_wait3A_254 = arith.constant 5 : i32
    %dma_wait3A_255 = arith.constant 5 : i32
    %dma_wait3A_256 = arith.constant 0 : i32
    %dma_wait3A_257 = tpu.memref_slice %arg9[%dma_wait3A_255, %dma_wait3A_256] : memref<16x1024xf32, #tpu.memory_space<vmem>> -> memref<1x1024xf32, #tpu.memory_space<vmem>>
    %dma_wait3A_258 = tpu.memref_squeeze %dma_wait3A_257 : memref<1x1024xf32, #tpu.memory_space<vmem>> -> memref<1024xf32, #tpu.memory_space<vmem>>
    %dma_wait3A_259 = arith.constant 0 : i32
    %dma_wait3A_260 = tpu.memref_slice %arg6[%dma_wait3A_254, %dma_wait3A_259] : memref<16x100000xf32, #tpu.memory_space<vmem_shared>> -> memref<1x100000xf32, #tpu.memory_space<vmem_shared>>
    %dma_wait3A_261 = tpu.memref_squeeze %dma_wait3A_260 : memref<1x100000xf32, #tpu.memory_space<vmem_shared>> -> memref<100000xf32, #tpu.memory_space<vmem_shared>>
    %dma_wait3A_262 = arith.constant 0 : i32
    %dma_wait3A_263 = tpu.memref_slice %dma_wait3A_261[%dma_wait3A_262] : memref<100000xf32, #tpu.memory_space<vmem_shared>> -> memref<100000xf32, #tpu.memory_space<vmem_shared>>
    tpu.wait_indirect_dma semaphore(%arg12 : memref<!tpu.dma_semaphore, #tpu.memory_space<semaphore_mem>>) src(%dma_wait3A_263 : memref<100000xf32, #tpu.memory_space<vmem_shared>>) dst(%dma_wait3A_258 : memref<1024xf32, #tpu.memory_space<vmem>>)
    %scan3A_264 = arith.constant 0 : i32
    %scan3A_265 = arith.constant 0 : i32
    %scan3A_266 = arith.constant 64 : i32
    %scan3A_267 = arith.addi %scan3A_265, %scan3A_266 : i32
    %scan3A_268 = arith.constant 1 : i32
    scf.for %scan3A_430 = %scan3A_265 to %scan3A_267 step %scan3A_268  : i32 {
      %mul3A_431 = arith.constant 16 : i32
      %mul3A_432 = arith.muli %scan3A_430, %mul3A_431 : i32
      %get3A = arith.constant 5 : i32
      %get3A_433 = arith.index_cast %get3A : i32 to index
      %get3A_434 = arith.index_cast %mul3A_432 : i32 to index
      %get3A_435 = tpu.vector_load %arg9[%get3A_433, %get3A_434] {strides = array<i32>} : memref<16x1024xf32, #tpu.memory_space<vmem>>, vector<1x16xf32>,
      %get3A_436 = vector.shape_cast %get3A_435 : vector<1x16xf32> to vector<16xf32>
      %get3A_437 = arith.constant 5 : i32
      %get3A_438 = arith.index_cast %get3A_437 : i32 to index
      %get3A_439 = arith.constant 0 : index
      %get3A_440 = tpu.vector_load %arg8[%get3A_438, %get3A_439] {strides = array<i32>} : memref<16x16xf32, #tpu.memory_space<vmem>>, vector<1x16xf32>,
      %get3A_441 = vector.shape_cast %get3A_440 : vector<1x16xf32> to vector<16xf32>
      %mul3A_442 = arith.mulf %get3A_436, %get3A_441 : vector<16xf32>
      %neg3A = arith.constant 0.000000e+00 : f32
      %neg3A_443 = vector.broadcast %neg3A : f32 to vector<16xf32>
      %neg3A_444 = arith.subf %neg3A_443, %get3A_436 : vector<16xf32>
      %exp3A = math.exp %neg3A_444 : vector<16xf32>
      %add3A_445 = arith.constant 1.000000e+00 : f32
      %add3A_446 = vector.broadcast %add3A_445 : f32 to vector<16xf32>
      %add3A_447 = arith.addf %add3A_446, %exp3A : vector<16xf32>
      %div3A = arith.divf %mul3A_442, %add3A_447 : vector<16xf32>
      %mul3A_448 = arith.constant 16 : i32
      %mul3A_449 = arith.muli %scan3A_430, %mul3A_448 : i32
      %get3A_450 = arith.index_cast %mul3A_449 : i32 to index
      %get3A_451 = tpu.vector_load %arg10[%get3A_450] {strides = array<i32>} : memref<1024xf32, #tpu.memory_space<vmem>>, vector<16xf32>,
      %get3A_452 = vector.shape_cast %get3A_451 : vector<16xf32> to vector<16xf32>
      %add3A_453 = arith.addf %get3A_452, %div3A : vector<16xf32>
      %swap3A = arith.index_cast %mul3A_449 : i32 to index
      %swap3A_454 = tpu.vector_load %arg10[%swap3A] {strides = array<i32>} : memref<1024xf32, #tpu.memory_space<vmem>>, vector<16xf32>,
      %swap3A_455 = vector.shape_cast %swap3A_454 : vector<16xf32> to vector<16xf32>
      %swap3A_456 = vector.shape_cast %add3A_453 : vector<16xf32> to vector<16xf32>
      tpu.vector_store %arg10[%swap3A], %swap3A_456 {strides = array<i32>} : memref<1024xf32, #tpu.memory_space<vmem>>, vector<16xf32>,
    }
    %scan3A_269 = arith.constant 64 : i32
    %dma_wait3A_270 = arith.constant 6 : i32
    %dma_wait3A_271 = arith.constant 6 : i32
    %dma_wait3A_272 = arith.constant 0 : i32
    %dma_wait3A_273 = tpu.memref_slice %arg9[%dma_wait3A_271, %dma_wait3A_272] : memref<16x1024xf32, #tpu.memory_space<vmem>> -> memref<1x1024xf32, #tpu.memory_space<vmem>>
    %dma_wait3A_274 = tpu.memref_squeeze %dma_wait3A_273 : memref<1x1024xf32, #tpu.memory_space<vmem>> -> memref<1024xf32, #tpu.memory_space<vmem>>
    %dma_wait3A_275 = arith.constant 0 : i32
    %dma_wait3A_276 = tpu.memref_slice %arg6[%dma_wait3A_270, %dma_wait3A_275] : memref<16x100000xf32, #tpu.memory_space<vmem_shared>> -> memref<1x100000xf32, #tpu.memory_space<vmem_shared>>
    %dma_wait3A_277 = tpu.memref_squeeze %dma_wait3A_276 : memref<1x100000xf32, #tpu.memory_space<vmem_shared>> -> memref<100000xf32, #tpu.memory_space<vmem_shared>>
    %dma_wait3A_278 = arith.constant 0 : i32
    %dma_wait3A_279 = tpu.memref_slice %dma_wait3A_277[%dma_wait3A_278] : memref<100000xf32, #tpu.memory_space<vmem_shared>> -> memref<100000xf32, #tpu.memory_space<vmem_shared>>
    tpu.wait_indirect_dma semaphore(%arg12 : memref<!tpu.dma_semaphore, #tpu.memory_space<semaphore_mem>>) src(%dma_wait3A_279 : memref<100000xf32, #tpu.memory_space<vmem_shared>>) dst(%dma_wait3A_274 : memref<1024xf32, #tpu.memory_space<vmem>>)
    %scan3A_280 = arith.constant 0 : i32
    %scan3A_281 = arith.constant 0 : i32
    %scan3A_282 = arith.constant 64 : i32
    %scan3A_283 = arith.addi %scan3A_281, %scan3A_282 : i32
    %scan3A_284 = arith.constant 1 : i32
    scf.for %scan3A_430 = %scan3A_281 to %scan3A_283 step %scan3A_284  : i32 {
      %mul3A_431 = arith.constant 16 : i32
      %mul3A_432 = arith.muli %scan3A_430, %mul3A_431 : i32
      %get3A = arith.constant 6 : i32
      %get3A_433 = arith.index_cast %get3A : i32 to index
      %get3A_434 = arith.index_cast %mul3A_432 : i32 to index
      %get3A_435 = tpu.vector_load %arg9[%get3A_433, %get3A_434] {strides = array<i32>} : memref<16x1024xf32, #tpu.memory_space<vmem>>, vector<1x16xf32>,
      %get3A_436 = vector.shape_cast %get3A_435 : vector<1x16xf32> to vector<16xf32>
      %get3A_437 = arith.constant 6 : i32
      %get3A_438 = arith.index_cast %get3A_437 : i32 to index
      %get3A_439 = arith.constant 0 : index
      %get3A_440 = tpu.vector_load %arg8[%get3A_438, %get3A_439] {strides = array<i32>} : memref<16x16xf32, #tpu.memory_space<vmem>>, vector<1x16xf32>,
      %get3A_441 = vector.shape_cast %get3A_440 : vector<1x16xf32> to vector<16xf32>
      %mul3A_442 = arith.mulf %get3A_436, %get3A_441 : vector<16xf32>
      %neg3A = arith.constant 0.000000e+00 : f32
      %neg3A_443 = vector.broadcast %neg3A : f32 to vector<16xf32>
      %neg3A_444 = arith.subf %neg3A_443, %get3A_436 : vector<16xf32>
      %exp3A = math.exp %neg3A_444 : vector<16xf32>
      %add3A_445 = arith.constant 1.000000e+00 : f32
      %add3A_446 = vector.broadcast %add3A_445 : f32 to vector<16xf32>
      %add3A_447 = arith.addf %add3A_446, %exp3A : vector<16xf32>
      %div3A = arith.divf %mul3A_442, %add3A_447 : vector<16xf32>
      %mul3A_448 = arith.constant 16 : i32
      %mul3A_449 = arith.muli %scan3A_430, %mul3A_448 : i32
      %get3A_450 = arith.index_cast %mul3A_449 : i32 to index
      %get3A_451 = tpu.vector_load %arg10[%get3A_450] {strides = array<i32>} : memref<1024xf32, #tpu.memory_space<vmem>>, vector<16xf32>,
      %get3A_452 = vector.shape_cast %get3A_451 : vector<16xf32> to vector<16xf32>
      %add3A_453 = arith.addf %get3A_452, %div3A : vector<16xf32>
      %swap3A = arith.index_cast %mul3A_449 : i32 to index
      %swap3A_454 = tpu.vector_load %arg10[%swap3A] {strides = array<i32>} : memref<1024xf32, #tpu.memory_space<vmem>>, vector<16xf32>,
      %swap3A_455 = vector.shape_cast %swap3A_454 : vector<16xf32> to vector<16xf32>
      %swap3A_456 = vector.shape_cast %add3A_453 : vector<16xf32> to vector<16xf32>
      tpu.vector_store %arg10[%swap3A], %swap3A_456 {strides = array<i32>} : memref<1024xf32, #tpu.memory_space<vmem>>, vector<16xf32>,
    }
    %scan3A_285 = arith.constant 64 : i32
    %dma_wait3A_286 = arith.constant 7 : i32
    %dma_wait3A_287 = arith.constant 7 : i32
    %dma_wait3A_288 = arith.constant 0 : i32
    %dma_wait3A_289 = tpu.memref_slice %arg9[%dma_wait3A_287, %dma_wait3A_288] : memref<16x1024xf32, #tpu.memory_space<vmem>> -> memref<1x1024xf32, #tpu.memory_space<vmem>>
    %dma_wait3A_290 = tpu.memref_squeeze %dma_wait3A_289 : memref<1x1024xf32, #tpu.memory_space<vmem>> -> memref<1024xf32, #tpu.memory_space<vmem>>
    %dma_wait3A_291 = arith.constant 0 : i32
    %dma_wait3A_292 = tpu.memref_slice %arg6[%dma_wait3A_286, %dma_wait3A_291] : memref<16x100000xf32, #tpu.memory_space<vmem_shared>> -> memref<1x100000xf32, #tpu.memory_space<vmem_shared>>
    %dma_wait3A_293 = tpu.memref_squeeze %dma_wait3A_292 : memref<1x100000xf32, #tpu.memory_space<vmem_shared>> -> memref<100000xf32, #tpu.memory_space<vmem_shared>>
    %dma_wait3A_294 = arith.constant 0 : i32
    %dma_wait3A_295 = tpu.memref_slice %dma_wait3A_293[%dma_wait3A_294] : memref<100000xf32, #tpu.memory_space<vmem_shared>> -> memref<100000xf32, #tpu.memory_space<vmem_shared>>
    tpu.wait_indirect_dma semaphore(%arg12 : memref<!tpu.dma_semaphore, #tpu.memory_space<semaphore_mem>>) src(%dma_wait3A_295 : memref<100000xf32, #tpu.memory_space<vmem_shared>>) dst(%dma_wait3A_290 : memref<1024xf32, #tpu.memory_space<vmem>>)
    %scan3A_296 = arith.constant 0 : i32
    %scan3A_297 = arith.constant 0 : i32
    %scan3A_298 = arith.constant 64 : i32
    %scan3A_299 = arith.addi %scan3A_297, %scan3A_298 : i32
    %scan3A_300 = arith.constant 1 : i32
    scf.for %scan3A_430 = %scan3A_297 to %scan3A_299 step %scan3A_300  : i32 {
      %mul3A_431 = arith.constant 16 : i32
      %mul3A_432 = arith.muli %scan3A_430, %mul3A_431 : i32
      %get3A = arith.constant 7 : i32
      %get3A_433 = arith.index_cast %get3A : i32 to index
      %get3A_434 = arith.index_cast %mul3A_432 : i32 to index
      %get3A_435 = tpu.vector_load %arg9[%get3A_433, %get3A_434] {strides = array<i32>} : memref<16x1024xf32, #tpu.memory_space<vmem>>, vector<1x16xf32>,
      %get3A_436 = vector.shape_cast %get3A_435 : vector<1x16xf32> to vector<16xf32>
      %get3A_437 = arith.constant 7 : i32
      %get3A_438 = arith.index_cast %get3A_437 : i32 to index
      %get3A_439 = arith.constant 0 : index
      %get3A_440 = tpu.vector_load %arg8[%get3A_438, %get3A_439] {strides = array<i32>} : memref<16x16xf32, #tpu.memory_space<vmem>>, vector<1x16xf32>,
      %get3A_441 = vector.shape_cast %get3A_440 : vector<1x16xf32> to vector<16xf32>
      %mul3A_442 = arith.mulf %get3A_436, %get3A_441 : vector<16xf32>
      %neg3A = arith.constant 0.000000e+00 : f32
      %neg3A_443 = vector.broadcast %neg3A : f32 to vector<16xf32>
      %neg3A_444 = arith.subf %neg3A_443, %get3A_436 : vector<16xf32>
      %exp3A = math.exp %neg3A_444 : vector<16xf32>
      %add3A_445 = arith.constant 1.000000e+00 : f32
      %add3A_446 = vector.broadcast %add3A_445 : f32 to vector<16xf32>
      %add3A_447 = arith.addf %add3A_446, %exp3A : vector<16xf32>
      %div3A = arith.divf %mul3A_442, %add3A_447 : vector<16xf32>
      %mul3A_448 = arith.constant 16 : i32
      %mul3A_449 = arith.muli %scan3A_430, %mul3A_448 : i32
      %get3A_450 = arith.index_cast %mul3A_449 : i32 to index
      %get3A_451 = tpu.vector_load %arg10[%get3A_450] {strides = array<i32>} : memref<1024xf32, #tpu.memory_space<vmem>>, vector<16xf32>,
      %get3A_452 = vector.shape_cast %get3A_451 : vector<16xf32> to vector<16xf32>
      %add3A_453 = arith.addf %get3A_452, %div3A : vector<16xf32>
      %swap3A = arith.index_cast %mul3A_449 : i32 to index
      %swap3A_454 = tpu.vector_load %arg10[%swap3A] {strides = array<i32>} : memref<1024xf32, #tpu.memory_space<vmem>>, vector<16xf32>,
      %swap3A_455 = vector.shape_cast %swap3A_454 : vector<16xf32> to vector<16xf32>
      %swap3A_456 = vector.shape_cast %add3A_453 : vector<16xf32> to vector<16xf32>
      tpu.vector_store %arg10[%swap3A], %swap3A_456 {strides = array<i32>} : memref<1024xf32, #tpu.memory_space<vmem>>, vector<16xf32>,
    }
    %scan3A_301 = arith.constant 64 : i32
    %dma_wait3A_302 = arith.constant 8 : i32
    %dma_wait3A_303 = arith.constant 8 : i32
    %dma_wait3A_304 = arith.constant 0 : i32
    %dma_wait3A_305 = tpu.memref_slice %arg9[%dma_wait3A_303, %dma_wait3A_304] : memref<16x1024xf32, #tpu.memory_space<vmem>> -> memref<1x1024xf32, #tpu.memory_space<vmem>>
    %dma_wait3A_306 = tpu.memref_squeeze %dma_wait3A_305 : memref<1x1024xf32, #tpu.memory_space<vmem>> -> memref<1024xf32, #tpu.memory_space<vmem>>
    %dma_wait3A_307 = arith.constant 0 : i32
    %dma_wait3A_308 = tpu.memref_slice %arg6[%dma_wait3A_302, %dma_wait3A_307] : memref<16x100000xf32, #tpu.memory_space<vmem_shared>> -> memref<1x100000xf32, #tpu.memory_space<vmem_shared>>
    %dma_wait3A_309 = tpu.memref_squeeze %dma_wait3A_308 : memref<1x100000xf32, #tpu.memory_space<vmem_shared>> -> memref<100000xf32, #tpu.memory_space<vmem_shared>>
    %dma_wait3A_310 = arith.constant 0 : i32
    %dma_wait3A_311 = tpu.memref_slice %dma_wait3A_309[%dma_wait3A_310] : memref<100000xf32, #tpu.memory_space<vmem_shared>> -> memref<100000xf32, #tpu.memory_space<vmem_shared>>
    tpu.wait_indirect_dma semaphore(%arg12 : memref<!tpu.dma_semaphore, #tpu.memory_space<semaphore_mem>>) src(%dma_wait3A_311 : memref<100000xf32, #tpu.memory_space<vmem_shared>>) dst(%dma_wait3A_306 : memref<1024xf32, #tpu.memory_space<vmem>>)
    %scan3A_312 = arith.constant 0 : i32
    %scan3A_313 = arith.constant 0 : i32
    %scan3A_314 = arith.constant 64 : i32
    %scan3A_315 = arith.addi %scan3A_313, %scan3A_314 : i32
    %scan3A_316 = arith.constant 1 : i32
    scf.for %scan3A_430 = %scan3A_313 to %scan3A_315 step %scan3A_316  : i32 {
      %mul3A_431 = arith.constant 16 : i32
      %mul3A_432 = arith.muli %scan3A_430, %mul3A_431 : i32
      %get3A = arith.constant 8 : i32
      %get3A_433 = arith.index_cast %get3A : i32 to index
      %get3A_434 = arith.index_cast %mul3A_432 : i32 to index
      %get3A_435 = tpu.vector_load %arg9[%get3A_433, %get3A_434] {strides = array<i32>} : memref<16x1024xf32, #tpu.memory_space<vmem>>, vector<1x16xf32>,
      %get3A_436 = vector.shape_cast %get3A_435 : vector<1x16xf32> to vector<16xf32>
      %get3A_437 = arith.constant 8 : i32
      %get3A_438 = arith.index_cast %get3A_437 : i32 to index
      %get3A_439 = arith.constant 0 : index
      %get3A_440 = tpu.vector_load %arg8[%get3A_438, %get3A_439] {strides = array<i32>} : memref<16x16xf32, #tpu.memory_space<vmem>>, vector<1x16xf32>,
      %get3A_441 = vector.shape_cast %get3A_440 : vector<1x16xf32> to vector<16xf32>
      %mul3A_442 = arith.mulf %get3A_436, %get3A_441 : vector<16xf32>
      %neg3A = arith.constant 0.000000e+00 : f32
      %neg3A_443 = vector.broadcast %neg3A : f32 to vector<16xf32>
      %neg3A_444 = arith.subf %neg3A_443, %get3A_436 : vector<16xf32>
      %exp3A = math.exp %neg3A_444 : vector<16xf32>
      %add3A_445 = arith.constant 1.000000e+00 : f32
      %add3A_446 = vector.broadcast %add3A_445 : f32 to vector<16xf32>
      %add3A_447 = arith.addf %add3A_446, %exp3A : vector<16xf32>
      %div3A = arith.divf %mul3A_442, %add3A_447 : vector<16xf32>
      %mul3A_448 = arith.constant 16 : i32
      %mul3A_449 = arith.muli %scan3A_430, %mul3A_448 : i32
      %get3A_450 = arith.index_cast %mul3A_449 : i32 to index
      %get3A_451 = tpu.vector_load %arg10[%get3A_450] {strides = array<i32>} : memref<1024xf32, #tpu.memory_space<vmem>>, vector<16xf32>,
      %get3A_452 = vector.shape_cast %get3A_451 : vector<16xf32> to vector<16xf32>
      %add3A_453 = arith.addf %get3A_452, %div3A : vector<16xf32>
      %swap3A = arith.index_cast %mul3A_449 : i32 to index
      %swap3A_454 = tpu.vector_load %arg10[%swap3A] {strides = array<i32>} : memref<1024xf32, #tpu.memory_space<vmem>>, vector<16xf32>,
      %swap3A_455 = vector.shape_cast %swap3A_454 : vector<16xf32> to vector<16xf32>
      %swap3A_456 = vector.shape_cast %add3A_453 : vector<16xf32> to vector<16xf32>
      tpu.vector_store %arg10[%swap3A], %swap3A_456 {strides = array<i32>} : memref<1024xf32, #tpu.memory_space<vmem>>, vector<16xf32>,
    }
    %scan3A_317 = arith.constant 64 : i32
    %dma_wait3A_318 = arith.constant 9 : i32
    %dma_wait3A_319 = arith.constant 9 : i32
    %dma_wait3A_320 = arith.constant 0 : i32
    %dma_wait3A_321 = tpu.memref_slice %arg9[%dma_wait3A_319, %dma_wait3A_320] : memref<16x1024xf32, #tpu.memory_space<vmem>> -> memref<1x1024xf32, #tpu.memory_space<vmem>>
    %dma_wait3A_322 = tpu.memref_squeeze %dma_wait3A_321 : memref<1x1024xf32, #tpu.memory_space<vmem>> -> memref<1024xf32, #tpu.memory_space<vmem>>
    %dma_wait3A_323 = arith.constant 0 : i32
    %dma_wait3A_324 = tpu.memref_slice %arg6[%dma_wait3A_318, %dma_wait3A_323] : memref<16x100000xf32, #tpu.memory_space<vmem_shared>> -> memref<1x100000xf32, #tpu.memory_space<vmem_shared>>
    %dma_wait3A_325 = tpu.memref_squeeze %dma_wait3A_324 : memref<1x100000xf32, #tpu.memory_space<vmem_shared>> -> memref<100000xf32, #tpu.memory_space<vmem_shared>>
    %dma_wait3A_326 = arith.constant 0 : i32
    %dma_wait3A_327 = tpu.memref_slice %dma_wait3A_325[%dma_wait3A_326] : memref<100000xf32, #tpu.memory_space<vmem_shared>> -> memref<100000xf32, #tpu.memory_space<vmem_shared>>
    tpu.wait_indirect_dma semaphore(%arg12 : memref<!tpu.dma_semaphore, #tpu.memory_space<semaphore_mem>>) src(%dma_wait3A_327 : memref<100000xf32, #tpu.memory_space<vmem_shared>>) dst(%dma_wait3A_322 : memref<1024xf32, #tpu.memory_space<vmem>>)
    %scan3A_328 = arith.constant 0 : i32
    %scan3A_329 = arith.constant 0 : i32
    %scan3A_330 = arith.constant 64 : i32
    %scan3A_331 = arith.addi %scan3A_329, %scan3A_330 : i32
    %scan3A_332 = arith.constant 1 : i32
    scf.for %scan3A_430 = %scan3A_329 to %scan3A_331 step %scan3A_332  : i32 {
      %mul3A_431 = arith.constant 16 : i32
      %mul3A_432 = arith.muli %scan3A_430, %mul3A_431 : i32
      %get3A = arith.constant 9 : i32
      %get3A_433 = arith.index_cast %get3A : i32 to index
      %get3A_434 = arith.index_cast %mul3A_432 : i32 to index
      %get3A_435 = tpu.vector_load %arg9[%get3A_433, %get3A_434] {strides = array<i32>} : memref<16x1024xf32, #tpu.memory_space<vmem>>, vector<1x16xf32>,
      %get3A_436 = vector.shape_cast %get3A_435 : vector<1x16xf32> to vector<16xf32>
      %get3A_437 = arith.constant 9 : i32
      %get3A_438 = arith.index_cast %get3A_437 : i32 to index
      %get3A_439 = arith.constant 0 : index
      %get3A_440 = tpu.vector_load %arg8[%get3A_438, %get3A_439] {strides = array<i32>} : memref<16x16xf32, #tpu.memory_space<vmem>>, vector<1x16xf32>,
      %get3A_441 = vector.shape_cast %get3A_440 : vector<1x16xf32> to vector<16xf32>
      %mul3A_442 = arith.mulf %get3A_436, %get3A_441 : vector<16xf32>
      %neg3A = arith.constant 0.000000e+00 : f32
      %neg3A_443 = vector.broadcast %neg3A : f32 to vector<16xf32>
      %neg3A_444 = arith.subf %neg3A_443, %get3A_436 : vector<16xf32>
      %exp3A = math.exp %neg3A_444 : vector<16xf32>
      %add3A_445 = arith.constant 1.000000e+00 : f32
      %add3A_446 = vector.broadcast %add3A_445 : f32 to vector<16xf32>
      %add3A_447 = arith.addf %add3A_446, %exp3A : vector<16xf32>
      %div3A = arith.divf %mul3A_442, %add3A_447 : vector<16xf32>
      %mul3A_448 = arith.constant 16 : i32
      %mul3A_449 = arith.muli %scan3A_430, %mul3A_448 : i32
      %get3A_450 = arith.index_cast %mul3A_449 : i32 to index
      %get3A_451 = tpu.vector_load %arg10[%get3A_450] {strides = array<i32>} : memref<1024xf32, #tpu.memory_space<vmem>>, vector<16xf32>,
      %get3A_452 = vector.shape_cast %get3A_451 : vector<16xf32> to vector<16xf32>
      %add3A_453 = arith.addf %get3A_452, %div3A : vector<16xf32>
      %swap3A = arith.index_cast %mul3A_449 : i32 to index
      %swap3A_454 = tpu.vector_load %arg10[%swap3A] {strides = array<i32>} : memref<1024xf32, #tpu.memory_space<vmem>>, vector<16xf32>,
      %swap3A_455 = vector.shape_cast %swap3A_454 : vector<16xf32> to vector<16xf32>
      %swap3A_456 = vector.shape_cast %add3A_453 : vector<16xf32> to vector<16xf32>
      tpu.vector_store %arg10[%swap3A], %swap3A_456 {strides = array<i32>} : memref<1024xf32, #tpu.memory_space<vmem>>, vector<16xf32>,
    }
    %scan3A_333 = arith.constant 64 : i32
    %dma_wait3A_334 = arith.constant 10 : i32
    %dma_wait3A_335 = arith.constant 10 : i32
    %dma_wait3A_336 = arith.constant 0 : i32
    %dma_wait3A_337 = tpu.memref_slice %arg9[%dma_wait3A_335, %dma_wait3A_336] : memref<16x1024xf32, #tpu.memory_space<vmem>> -> memref<1x1024xf32, #tpu.memory_space<vmem>>
    %dma_wait3A_338 = tpu.memref_squeeze %dma_wait3A_337 : memref<1x1024xf32, #tpu.memory_space<vmem>> -> memref<1024xf32, #tpu.memory_space<vmem>>
    %dma_wait3A_339 = arith.constant 0 : i32
    %dma_wait3A_340 = tpu.memref_slice %arg6[%dma_wait3A_334, %dma_wait3A_339] : memref<16x100000xf32, #tpu.memory_space<vmem_shared>> -> memref<1x100000xf32, #tpu.memory_space<vmem_shared>>
    %dma_wait3A_341 = tpu.memref_squeeze %dma_wait3A_340 : memref<1x100000xf32, #tpu.memory_space<vmem_shared>> -> memref<100000xf32, #tpu.memory_space<vmem_shared>>
    %dma_wait3A_342 = arith.constant 0 : i32
    %dma_wait3A_343 = tpu.memref_slice %dma_wait3A_341[%dma_wait3A_342] : memref<100000xf32, #tpu.memory_space<vmem_shared>> -> memref<100000xf32, #tpu.memory_space<vmem_shared>>
    tpu.wait_indirect_dma semaphore(%arg12 : memref<!tpu.dma_semaphore, #tpu.memory_space<semaphore_mem>>) src(%dma_wait3A_343 : memref<100000xf32, #tpu.memory_space<vmem_shared>>) dst(%dma_wait3A_338 : memref<1024xf32, #tpu.memory_space<vmem>>)
    %scan3A_344 = arith.constant 0 : i32
    %scan3A_345 = arith.constant 0 : i32
    %scan3A_346 = arith.constant 64 : i32
    %scan3A_347 = arith.addi %scan3A_345, %scan3A_346 : i32
    %scan3A_348 = arith.constant 1 : i32
    scf.for %scan3A_430 = %scan3A_345 to %scan3A_347 step %scan3A_348  : i32 {
      %mul3A_431 = arith.constant 16 : i32
      %mul3A_432 = arith.muli %scan3A_430, %mul3A_431 : i32
      %get3A = arith.constant 10 : i32
      %get3A_433 = arith.index_cast %get3A : i32 to index
      %get3A_434 = arith.index_cast %mul3A_432 : i32 to index
      %get3A_435 = tpu.vector_load %arg9[%get3A_433, %get3A_434] {strides = array<i32>} : memref<16x1024xf32, #tpu.memory_space<vmem>>, vector<1x16xf32>,
      %get3A_436 = vector.shape_cast %get3A_435 : vector<1x16xf32> to vector<16xf32>
      %get3A_437 = arith.constant 10 : i32
      %get3A_438 = arith.index_cast %get3A_437 : i32 to index
      %get3A_439 = arith.constant 0 : index
      %get3A_440 = tpu.vector_load %arg8[%get3A_438, %get3A_439] {strides = array<i32>} : memref<16x16xf32, #tpu.memory_space<vmem>>, vector<1x16xf32>,
      %get3A_441 = vector.shape_cast %get3A_440 : vector<1x16xf32> to vector<16xf32>
      %mul3A_442 = arith.mulf %get3A_436, %get3A_441 : vector<16xf32>
      %neg3A = arith.constant 0.000000e+00 : f32
      %neg3A_443 = vector.broadcast %neg3A : f32 to vector<16xf32>
      %neg3A_444 = arith.subf %neg3A_443, %get3A_436 : vector<16xf32>
      %exp3A = math.exp %neg3A_444 : vector<16xf32>
      %add3A_445 = arith.constant 1.000000e+00 : f32
      %add3A_446 = vector.broadcast %add3A_445 : f32 to vector<16xf32>
      %add3A_447 = arith.addf %add3A_446, %exp3A : vector<16xf32>
      %div3A = arith.divf %mul3A_442, %add3A_447 : vector<16xf32>
      %mul3A_448 = arith.constant 16 : i32
      %mul3A_449 = arith.muli %scan3A_430, %mul3A_448 : i32
      %get3A_450 = arith.index_cast %mul3A_449 : i32 to index
      %get3A_451 = tpu.vector_load %arg10[%get3A_450] {strides = array<i32>} : memref<1024xf32, #tpu.memory_space<vmem>>, vector<16xf32>,
      %get3A_452 = vector.shape_cast %get3A_451 : vector<16xf32> to vector<16xf32>
      %add3A_453 = arith.addf %get3A_452, %div3A : vector<16xf32>
      %swap3A = arith.index_cast %mul3A_449 : i32 to index
      %swap3A_454 = tpu.vector_load %arg10[%swap3A] {strides = array<i32>} : memref<1024xf32, #tpu.memory_space<vmem>>, vector<16xf32>,
      %swap3A_455 = vector.shape_cast %swap3A_454 : vector<16xf32> to vector<16xf32>
      %swap3A_456 = vector.shape_cast %add3A_453 : vector<16xf32> to vector<16xf32>
      tpu.vector_store %arg10[%swap3A], %swap3A_456 {strides = array<i32>} : memref<1024xf32, #tpu.memory_space<vmem>>, vector<16xf32>,
    }
    %scan3A_349 = arith.constant 64 : i32
    %dma_wait3A_350 = arith.constant 11 : i32
    %dma_wait3A_351 = arith.constant 11 : i32
    %dma_wait3A_352 = arith.constant 0 : i32
    %dma_wait3A_353 = tpu.memref_slice %arg9[%dma_wait3A_351, %dma_wait3A_352] : memref<16x1024xf32, #tpu.memory_space<vmem>> -> memref<1x1024xf32, #tpu.memory_space<vmem>>
    %dma_wait3A_354 = tpu.memref_squeeze %dma_wait3A_353 : memref<1x1024xf32, #tpu.memory_space<vmem>> -> memref<1024xf32, #tpu.memory_space<vmem>>
    %dma_wait3A_355 = arith.constant 0 : i32
    %dma_wait3A_356 = tpu.memref_slice %arg6[%dma_wait3A_350, %dma_wait3A_355] : memref<16x100000xf32, #tpu.memory_space<vmem_shared>> -> memref<1x100000xf32, #tpu.memory_space<vmem_shared>>
    %dma_wait3A_357 = tpu.memref_squeeze %dma_wait3A_356 : memref<1x100000xf32, #tpu.memory_space<vmem_shared>> -> memref<100000xf32, #tpu.memory_space<vmem_shared>>
    %dma_wait3A_358 = arith.constant 0 : i32
    %dma_wait3A_359 = tpu.memref_slice %dma_wait3A_357[%dma_wait3A_358] : memref<100000xf32, #tpu.memory_space<vmem_shared>> -> memref<100000xf32, #tpu.memory_space<vmem_shared>>
    tpu.wait_indirect_dma semaphore(%arg12 : memref<!tpu.dma_semaphore, #tpu.memory_space<semaphore_mem>>) src(%dma_wait3A_359 : memref<100000xf32, #tpu.memory_space<vmem_shared>>) dst(%dma_wait3A_354 : memref<1024xf32, #tpu.memory_space<vmem>>)
    %scan3A_360 = arith.constant 0 : i32
    %scan3A_361 = arith.constant 0 : i32
    %scan3A_362 = arith.constant 64 : i32
    %scan3A_363 = arith.addi %scan3A_361, %scan3A_362 : i32
    %scan3A_364 = arith.constant 1 : i32
    scf.for %scan3A_430 = %scan3A_361 to %scan3A_363 step %scan3A_364  : i32 {
      %mul3A_431 = arith.constant 16 : i32
      %mul3A_432 = arith.muli %scan3A_430, %mul3A_431 : i32
      %get3A = arith.constant 11 : i32
      %get3A_433 = arith.index_cast %get3A : i32 to index
      %get3A_434 = arith.index_cast %mul3A_432 : i32 to index
      %get3A_435 = tpu.vector_load %arg9[%get3A_433, %get3A_434] {strides = array<i32>} : memref<16x1024xf32, #tpu.memory_space<vmem>>, vector<1x16xf32>,
      %get3A_436 = vector.shape_cast %get3A_435 : vector<1x16xf32> to vector<16xf32>
      %get3A_437 = arith.constant 11 : i32
      %get3A_438 = arith.index_cast %get3A_437 : i32 to index
      %get3A_439 = arith.constant 0 : index
      %get3A_440 = tpu.vector_load %arg8[%get3A_438, %get3A_439] {strides = array<i32>} : memref<16x16xf32, #tpu.memory_space<vmem>>, vector<1x16xf32>,
      %get3A_441 = vector.shape_cast %get3A_440 : vector<1x16xf32> to vector<16xf32>
      %mul3A_442 = arith.mulf %get3A_436, %get3A_441 : vector<16xf32>
      %neg3A = arith.constant 0.000000e+00 : f32
      %neg3A_443 = vector.broadcast %neg3A : f32 to vector<16xf32>
      %neg3A_444 = arith.subf %neg3A_443, %get3A_436 : vector<16xf32>
      %exp3A = math.exp %neg3A_444 : vector<16xf32>
      %add3A_445 = arith.constant 1.000000e+00 : f32
      %add3A_446 = vector.broadcast %add3A_445 : f32 to vector<16xf32>
      %add3A_447 = arith.addf %add3A_446, %exp3A : vector<16xf32>
      %div3A = arith.divf %mul3A_442, %add3A_447 : vector<16xf32>
      %mul3A_448 = arith.constant 16 : i32
      %mul3A_449 = arith.muli %scan3A_430, %mul3A_448 : i32
      %get3A_450 = arith.index_cast %mul3A_449 : i32 to index
      %get3A_451 = tpu.vector_load %arg10[%get3A_450] {strides = array<i32>} : memref<1024xf32, #tpu.memory_space<vmem>>, vector<16xf32>,
      %get3A_452 = vector.shape_cast %get3A_451 : vector<16xf32> to vector<16xf32>
      %add3A_453 = arith.addf %get3A_452, %div3A : vector<16xf32>
      %swap3A = arith.index_cast %mul3A_449 : i32 to index
      %swap3A_454 = tpu.vector_load %arg10[%swap3A] {strides = array<i32>} : memref<1024xf32, #tpu.memory_space<vmem>>, vector<16xf32>,
      %swap3A_455 = vector.shape_cast %swap3A_454 : vector<16xf32> to vector<16xf32>
      %swap3A_456 = vector.shape_cast %add3A_453 : vector<16xf32> to vector<16xf32>
      tpu.vector_store %arg10[%swap3A], %swap3A_456 {strides = array<i32>} : memref<1024xf32, #tpu.memory_space<vmem>>, vector<16xf32>,
    }
    %scan3A_365 = arith.constant 64 : i32
    %dma_wait3A_366 = arith.constant 12 : i32
    %dma_wait3A_367 = arith.constant 12 : i32
    %dma_wait3A_368 = arith.constant 0 : i32
    %dma_wait3A_369 = tpu.memref_slice %arg9[%dma_wait3A_367, %dma_wait3A_368] : memref<16x1024xf32, #tpu.memory_space<vmem>> -> memref<1x1024xf32, #tpu.memory_space<vmem>>
    %dma_wait3A_370 = tpu.memref_squeeze %dma_wait3A_369 : memref<1x1024xf32, #tpu.memory_space<vmem>> -> memref<1024xf32, #tpu.memory_space<vmem>>
    %dma_wait3A_371 = arith.constant 0 : i32
    %dma_wait3A_372 = tpu.memref_slice %arg6[%dma_wait3A_366, %dma_wait3A_371] : memref<16x100000xf32, #tpu.memory_space<vmem_shared>> -> memref<1x100000xf32, #tpu.memory_space<vmem_shared>>
    %dma_wait3A_373 = tpu.memref_squeeze %dma_wait3A_372 : memref<1x100000xf32, #tpu.memory_space<vmem_shared>> -> memref<100000xf32, #tpu.memory_space<vmem_shared>>
    %dma_wait3A_374 = arith.constant 0 : i32
    %dma_wait3A_375 = tpu.memref_slice %dma_wait3A_373[%dma_wait3A_374] : memref<100000xf32, #tpu.memory_space<vmem_shared>> -> memref<100000xf32, #tpu.memory_space<vmem_shared>>
    tpu.wait_indirect_dma semaphore(%arg12 : memref<!tpu.dma_semaphore, #tpu.memory_space<semaphore_mem>>) src(%dma_wait3A_375 : memref<100000xf32, #tpu.memory_space<vmem_shared>>) dst(%dma_wait3A_370 : memref<1024xf32, #tpu.memory_space<vmem>>)
    %scan3A_376 = arith.constant 0 : i32
    %scan3A_377 = arith.constant 0 : i32
    %scan3A_378 = arith.constant 64 : i32
    %scan3A_379 = arith.addi %scan3A_377, %scan3A_378 : i32
    %scan3A_380 = arith.constant 1 : i32
    scf.for %scan3A_430 = %scan3A_377 to %scan3A_379 step %scan3A_380  : i32 {
      %mul3A_431 = arith.constant 16 : i32
      %mul3A_432 = arith.muli %scan3A_430, %mul3A_431 : i32
      %get3A = arith.constant 12 : i32
      %get3A_433 = arith.index_cast %get3A : i32 to index
      %get3A_434 = arith.index_cast %mul3A_432 : i32 to index
      %get3A_435 = tpu.vector_load %arg9[%get3A_433, %get3A_434] {strides = array<i32>} : memref<16x1024xf32, #tpu.memory_space<vmem>>, vector<1x16xf32>,
      %get3A_436 = vector.shape_cast %get3A_435 : vector<1x16xf32> to vector<16xf32>
      %get3A_437 = arith.constant 12 : i32
      %get3A_438 = arith.index_cast %get3A_437 : i32 to index
      %get3A_439 = arith.constant 0 : index
      %get3A_440 = tpu.vector_load %arg8[%get3A_438, %get3A_439] {strides = array<i32>} : memref<16x16xf32, #tpu.memory_space<vmem>>, vector<1x16xf32>,
      %get3A_441 = vector.shape_cast %get3A_440 : vector<1x16xf32> to vector<16xf32>
      %mul3A_442 = arith.mulf %get3A_436, %get3A_441 : vector<16xf32>
      %neg3A = arith.constant 0.000000e+00 : f32
      %neg3A_443 = vector.broadcast %neg3A : f32 to vector<16xf32>
      %neg3A_444 = arith.subf %neg3A_443, %get3A_436 : vector<16xf32>
      %exp3A = math.exp %neg3A_444 : vector<16xf32>
      %add3A_445 = arith.constant 1.000000e+00 : f32
      %add3A_446 = vector.broadcast %add3A_445 : f32 to vector<16xf32>
      %add3A_447 = arith.addf %add3A_446, %exp3A : vector<16xf32>
      %div3A = arith.divf %mul3A_442, %add3A_447 : vector<16xf32>
      %mul3A_448 = arith.constant 16 : i32
      %mul3A_449 = arith.muli %scan3A_430, %mul3A_448 : i32
      %get3A_450 = arith.index_cast %mul3A_449 : i32 to index
      %get3A_451 = tpu.vector_load %arg10[%get3A_450] {strides = array<i32>} : memref<1024xf32, #tpu.memory_space<vmem>>, vector<16xf32>,
      %get3A_452 = vector.shape_cast %get3A_451 : vector<16xf32> to vector<16xf32>
      %add3A_453 = arith.addf %get3A_452, %div3A : vector<16xf32>
      %swap3A = arith.index_cast %mul3A_449 : i32 to index
      %swap3A_454 = tpu.vector_load %arg10[%swap3A] {strides = array<i32>} : memref<1024xf32, #tpu.memory_space<vmem>>, vector<16xf32>,
      %swap3A_455 = vector.shape_cast %swap3A_454 : vector<16xf32> to vector<16xf32>
      %swap3A_456 = vector.shape_cast %add3A_453 : vector<16xf32> to vector<16xf32>
      tpu.vector_store %arg10[%swap3A], %swap3A_456 {strides = array<i32>} : memref<1024xf32, #tpu.memory_space<vmem>>, vector<16xf32>,
    }
    %scan3A_381 = arith.constant 64 : i32
    %dma_wait3A_382 = arith.constant 13 : i32
    %dma_wait3A_383 = arith.constant 13 : i32
    %dma_wait3A_384 = arith.constant 0 : i32
    %dma_wait3A_385 = tpu.memref_slice %arg9[%dma_wait3A_383, %dma_wait3A_384] : memref<16x1024xf32, #tpu.memory_space<vmem>> -> memref<1x1024xf32, #tpu.memory_space<vmem>>
    %dma_wait3A_386 = tpu.memref_squeeze %dma_wait3A_385 : memref<1x1024xf32, #tpu.memory_space<vmem>> -> memref<1024xf32, #tpu.memory_space<vmem>>
    %dma_wait3A_387 = arith.constant 0 : i32
    %dma_wait3A_388 = tpu.memref_slice %arg6[%dma_wait3A_382, %dma_wait3A_387] : memref<16x100000xf32, #tpu.memory_space<vmem_shared>> -> memref<1x100000xf32, #tpu.memory_space<vmem_shared>>
    %dma_wait3A_389 = tpu.memref_squeeze %dma_wait3A_388 : memref<1x100000xf32, #tpu.memory_space<vmem_shared>> -> memref<100000xf32, #tpu.memory_space<vmem_shared>>
    %dma_wait3A_390 = arith.constant 0 : i32
    %dma_wait3A_391 = tpu.memref_slice %dma_wait3A_389[%dma_wait3A_390] : memref<100000xf32, #tpu.memory_space<vmem_shared>> -> memref<100000xf32, #tpu.memory_space<vmem_shared>>
    tpu.wait_indirect_dma semaphore(%arg12 : memref<!tpu.dma_semaphore, #tpu.memory_space<semaphore_mem>>) src(%dma_wait3A_391 : memref<100000xf32, #tpu.memory_space<vmem_shared>>) dst(%dma_wait3A_386 : memref<1024xf32, #tpu.memory_space<vmem>>)
    %scan3A_392 = arith.constant 0 : i32
    %scan3A_393 = arith.constant 0 : i32
    %scan3A_394 = arith.constant 64 : i32
    %scan3A_395 = arith.addi %scan3A_393, %scan3A_394 : i32
    %scan3A_396 = arith.constant 1 : i32
    scf.for %scan3A_430 = %scan3A_393 to %scan3A_395 step %scan3A_396  : i32 {
      %mul3A_431 = arith.constant 16 : i32
      %mul3A_432 = arith.muli %scan3A_430, %mul3A_431 : i32
      %get3A = arith.constant 13 : i32
      %get3A_433 = arith.index_cast %get3A : i32 to index
      %get3A_434 = arith.index_cast %mul3A_432 : i32 to index
      %get3A_435 = tpu.vector_load %arg9[%get3A_433, %get3A_434] {strides = array<i32>} : memref<16x1024xf32, #tpu.memory_space<vmem>>, vector<1x16xf32>,
      %get3A_436 = vector.shape_cast %get3A_435 : vector<1x16xf32> to vector<16xf32>
      %get3A_437 = arith.constant 13 : i32
      %get3A_438 = arith.index_cast %get3A_437 : i32 to index
      %get3A_439 = arith.constant 0 : index
      %get3A_440 = tpu.vector_load %arg8[%get3A_438, %get3A_439] {strides = array<i32>} : memref<16x16xf32, #tpu.memory_space<vmem>>, vector<1x16xf32>,
      %get3A_441 = vector.shape_cast %get3A_440 : vector<1x16xf32> to vector<16xf32>
      %mul3A_442 = arith.mulf %get3A_436, %get3A_441 : vector<16xf32>
      %neg3A = arith.constant 0.000000e+00 : f32
      %neg3A_443 = vector.broadcast %neg3A : f32 to vector<16xf32>
      %neg3A_444 = arith.subf %neg3A_443, %get3A_436 : vector<16xf32>
      %exp3A = math.exp %neg3A_444 : vector<16xf32>
      %add3A_445 = arith.constant 1.000000e+00 : f32
      %add3A_446 = vector.broadcast %add3A_445 : f32 to vector<16xf32>
      %add3A_447 = arith.addf %add3A_446, %exp3A : vector<16xf32>
      %div3A = arith.divf %mul3A_442, %add3A_447 : vector<16xf32>
      %mul3A_448 = arith.constant 16 : i32
      %mul3A_449 = arith.muli %scan3A_430, %mul3A_448 : i32
      %get3A_450 = arith.index_cast %mul3A_449 : i32 to index
      %get3A_451 = tpu.vector_load %arg10[%get3A_450] {strides = array<i32>} : memref<1024xf32, #tpu.memory_space<vmem>>, vector<16xf32>,
      %get3A_452 = vector.shape_cast %get3A_451 : vector<16xf32> to vector<16xf32>
      %add3A_453 = arith.addf %get3A_452, %div3A : vector<16xf32>
      %swap3A = arith.index_cast %mul3A_449 : i32 to index
      %swap3A_454 = tpu.vector_load %arg10[%swap3A] {strides = array<i32>} : memref<1024xf32, #tpu.memory_space<vmem>>, vector<16xf32>,
      %swap3A_455 = vector.shape_cast %swap3A_454 : vector<16xf32> to vector<16xf32>
      %swap3A_456 = vector.shape_cast %add3A_453 : vector<16xf32> to vector<16xf32>
      tpu.vector_store %arg10[%swap3A], %swap3A_456 {strides = array<i32>} : memref<1024xf32, #tpu.memory_space<vmem>>, vector<16xf32>,
    }
    %scan3A_397 = arith.constant 64 : i32
    %dma_wait3A_398 = arith.constant 14 : i32
    %dma_wait3A_399 = arith.constant 14 : i32
    %dma_wait3A_400 = arith.constant 0 : i32
    %dma_wait3A_401 = tpu.memref_slice %arg9[%dma_wait3A_399, %dma_wait3A_400] : memref<16x1024xf32, #tpu.memory_space<vmem>> -> memref<1x1024xf32, #tpu.memory_space<vmem>>
    %dma_wait3A_402 = tpu.memref_squeeze %dma_wait3A_401 : memref<1x1024xf32, #tpu.memory_space<vmem>> -> memref<1024xf32, #tpu.memory_space<vmem>>
    %dma_wait3A_403 = arith.constant 0 : i32
    %dma_wait3A_404 = tpu.memref_slice %arg6[%dma_wait3A_398, %dma_wait3A_403] : memref<16x100000xf32, #tpu.memory_space<vmem_shared>> -> memref<1x100000xf32, #tpu.memory_space<vmem_shared>>
    %dma_wait3A_405 = tpu.memref_squeeze %dma_wait3A_404 : memref<1x100000xf32, #tpu.memory_space<vmem_shared>> -> memref<100000xf32, #tpu.memory_space<vmem_shared>>
    %dma_wait3A_406 = arith.constant 0 : i32
    %dma_wait3A_407 = tpu.memref_slice %dma_wait3A_405[%dma_wait3A_406] : memref<100000xf32, #tpu.memory_space<vmem_shared>> -> memref<100000xf32, #tpu.memory_space<vmem_shared>>
    tpu.wait_indirect_dma semaphore(%arg12 : memref<!tpu.dma_semaphore, #tpu.memory_space<semaphore_mem>>) src(%dma_wait3A_407 : memref<100000xf32, #tpu.memory_space<vmem_shared>>) dst(%dma_wait3A_402 : memref<1024xf32, #tpu.memory_space<vmem>>)
    %scan3A_408 = arith.constant 0 : i32
    %scan3A_409 = arith.constant 0 : i32
    %scan3A_410 = arith.constant 64 : i32
    %scan3A_411 = arith.addi %scan3A_409, %scan3A_410 : i32
    %scan3A_412 = arith.constant 1 : i32
    scf.for %scan3A_430 = %scan3A_409 to %scan3A_411 step %scan3A_412  : i32 {
      %mul3A_431 = arith.constant 16 : i32
      %mul3A_432 = arith.muli %scan3A_430, %mul3A_431 : i32
      %get3A = arith.constant 14 : i32
      %get3A_433 = arith.index_cast %get3A : i32 to index
      %get3A_434 = arith.index_cast %mul3A_432 : i32 to index
      %get3A_435 = tpu.vector_load %arg9[%get3A_433, %get3A_434] {strides = array<i32>} : memref<16x1024xf32, #tpu.memory_space<vmem>>, vector<1x16xf32>,
      %get3A_436 = vector.shape_cast %get3A_435 : vector<1x16xf32> to vector<16xf32>
      %get3A_437 = arith.constant 14 : i32
      %get3A_438 = arith.index_cast %get3A_437 : i32 to index
      %get3A_439 = arith.constant 0 : index
      %get3A_440 = tpu.vector_load %arg8[%get3A_438, %get3A_439] {strides = array<i32>} : memref<16x16xf32, #tpu.memory_space<vmem>>, vector<1x16xf32>,
      %get3A_441 = vector.shape_cast %get3A_440 : vector<1x16xf32> to vector<16xf32>
      %mul3A_442 = arith.mulf %get3A_436, %get3A_441 : vector<16xf32>
      %neg3A = arith.constant 0.000000e+00 : f32
      %neg3A_443 = vector.broadcast %neg3A : f32 to vector<16xf32>
      %neg3A_444 = arith.subf %neg3A_443, %get3A_436 : vector<16xf32>
      %exp3A = math.exp %neg3A_444 : vector<16xf32>
      %add3A_445 = arith.constant 1.000000e+00 : f32
      %add3A_446 = vector.broadcast %add3A_445 : f32 to vector<16xf32>
      %add3A_447 = arith.addf %add3A_446, %exp3A : vector<16xf32>
      %div3A = arith.divf %mul3A_442, %add3A_447 : vector<16xf32>
      %mul3A_448 = arith.constant 16 : i32
      %mul3A_449 = arith.muli %scan3A_430, %mul3A_448 : i32
      %get3A_450 = arith.index_cast %mul3A_449 : i32 to index
      %get3A_451 = tpu.vector_load %arg10[%get3A_450] {strides = array<i32>} : memref<1024xf32, #tpu.memory_space<vmem>>, vector<16xf32>,
      %get3A_452 = vector.shape_cast %get3A_451 : vector<16xf32> to vector<16xf32>
      %add3A_453 = arith.addf %get3A_452, %div3A : vector<16xf32>
      %swap3A = arith.index_cast %mul3A_449 : i32 to index
      %swap3A_454 = tpu.vector_load %arg10[%swap3A] {strides = array<i32>} : memref<1024xf32, #tpu.memory_space<vmem>>, vector<16xf32>,
      %swap3A_455 = vector.shape_cast %swap3A_454 : vector<16xf32> to vector<16xf32>
      %swap3A_456 = vector.shape_cast %add3A_453 : vector<16xf32> to vector<16xf32>
      tpu.vector_store %arg10[%swap3A], %swap3A_456 {strides = array<i32>} : memref<1024xf32, #tpu.memory_space<vmem>>, vector<16xf32>,
    }
    %scan3A_413 = arith.constant 64 : i32
    %dma_wait3A_414 = arith.constant 15 : i32
    %dma_wait3A_415 = arith.constant 15 : i32
    %dma_wait3A_416 = arith.constant 0 : i32
    %dma_wait3A_417 = tpu.memref_slice %arg9[%dma_wait3A_415, %dma_wait3A_416] : memref<16x1024xf32, #tpu.memory_space<vmem>> -> memref<1x1024xf32, #tpu.memory_space<vmem>>
    %dma_wait3A_418 = tpu.memref_squeeze %dma_wait3A_417 : memref<1x1024xf32, #tpu.memory_space<vmem>> -> memref<1024xf32, #tpu.memory_space<vmem>>
    %dma_wait3A_419 = arith.constant 0 : i32
    %dma_wait3A_420 = tpu.memref_slice %arg6[%dma_wait3A_414, %dma_wait3A_419] : memref<16x100000xf32, #tpu.memory_space<vmem_shared>> -> memref<1x100000xf32, #tpu.memory_space<vmem_shared>>
    %dma_wait3A_421 = tpu.memref_squeeze %dma_wait3A_420 : memref<1x100000xf32, #tpu.memory_space<vmem_shared>> -> memref<100000xf32, #tpu.memory_space<vmem_shared>>
    %dma_wait3A_422 = arith.constant 0 : i32
    %dma_wait3A_423 = tpu.memref_slice %dma_wait3A_421[%dma_wait3A_422] : memref<100000xf32, #tpu.memory_space<vmem_shared>> -> memref<100000xf32, #tpu.memory_space<vmem_shared>>
    tpu.wait_indirect_dma semaphore(%arg12 : memref<!tpu.dma_semaphore, #tpu.memory_space<semaphore_mem>>) src(%dma_wait3A_423 : memref<100000xf32, #tpu.memory_space<vmem_shared>>) dst(%dma_wait3A_418 : memref<1024xf32, #tpu.memory_space<vmem>>)
    %scan3A_424 = arith.constant 0 : i32
    %scan3A_425 = arith.constant 0 : i32
    %scan3A_426 = arith.constant 64 : i32
    %scan3A_427 = arith.addi %scan3A_425, %scan3A_426 : i32
    %scan3A_428 = arith.constant 1 : i32
    scf.for %scan3A_430 = %scan3A_425 to %scan3A_427 step %scan3A_428  : i32 {
      %mul3A_431 = arith.constant 16 : i32
      %mul3A_432 = arith.muli %scan3A_430, %mul3A_431 : i32
      %get3A = arith.constant 15 : i32
      %get3A_433 = arith.index_cast %get3A : i32 to index
      %get3A_434 = arith.index_cast %mul3A_432 : i32 to index
      %get3A_435 = tpu.vector_load %arg9[%get3A_433, %get3A_434] {strides = array<i32>} : memref<16x1024xf32, #tpu.memory_space<vmem>>, vector<1x16xf32>,
      %get3A_436 = vector.shape_cast %get3A_435 : vector<1x16xf32> to vector<16xf32>
      %get3A_437 = arith.constant 15 : i32
      %get3A_438 = arith.index_cast %get3A_437 : i32 to index
      %get3A_439 = arith.constant 0 : index
      %get3A_440 = tpu.vector_load %arg8[%get3A_438, %get3A_439] {strides = array<i32>} : memref<16x16xf32, #tpu.memory_space<vmem>>, vector<1x16xf32>,
      %get3A_441 = vector.shape_cast %get3A_440 : vector<1x16xf32> to vector<16xf32>
      %mul3A_442 = arith.mulf %get3A_436, %get3A_441 : vector<16xf32>
      %neg3A = arith.constant 0.000000e+00 : f32
      %neg3A_443 = vector.broadcast %neg3A : f32 to vector<16xf32>
      %neg3A_444 = arith.subf %neg3A_443, %get3A_436 : vector<16xf32>
      %exp3A = math.exp %neg3A_444 : vector<16xf32>
      %add3A_445 = arith.constant 1.000000e+00 : f32
      %add3A_446 = vector.broadcast %add3A_445 : f32 to vector<16xf32>
      %add3A_447 = arith.addf %add3A_446, %exp3A : vector<16xf32>
      %div3A = arith.divf %mul3A_442, %add3A_447 : vector<16xf32>
      %mul3A_448 = arith.constant 16 : i32
      %mul3A_449 = arith.muli %scan3A_430, %mul3A_448 : i32
      %get3A_450 = arith.index_cast %mul3A_449 : i32 to index
      %get3A_451 = tpu.vector_load %arg10[%get3A_450] {strides = array<i32>} : memref<1024xf32, #tpu.memory_space<vmem>>, vector<16xf32>,
      %get3A_452 = vector.shape_cast %get3A_451 : vector<16xf32> to vector<16xf32>
      %add3A_453 = arith.addf %get3A_452, %div3A : vector<16xf32>
      %swap3A = arith.index_cast %mul3A_449 : i32 to index
      %swap3A_454 = tpu.vector_load %arg10[%swap3A] {strides = array<i32>} : memref<1024xf32, #tpu.memory_space<vmem>>, vector<16xf32>,
      %swap3A_455 = vector.shape_cast %swap3A_454 : vector<16xf32> to vector<16xf32>
      %swap3A_456 = vector.shape_cast %add3A_453 : vector<16xf32> to vector<16xf32>
      tpu.vector_store %arg10[%swap3A], %swap3A_456 {strides = array<i32>} : memref<1024xf32, #tpu.memory_space<vmem>>, vector<16xf32>,
    }
    %scan3A_429 = arith.constant 64 : i32
    "tpu.region"() ({
      %run_scoped3A = tpu.sem_alloc : memref<!tpu.dma_semaphore, #tpu.memory_space<semaphore_mem>>
      %dma_start3A_430 = tpu.memref_slice %arg5[%arg0, %mul3A_0] : memref<2x16384xf32, #tpu.memory_space<hbm>> -> memref<1x1024xf32, #tpu.memory_space<hbm>>
      %dma_start3A_431 = tpu.memref_squeeze %dma_start3A_430 : memref<1x1024xf32, #tpu.memory_space<hbm>> -> memref<1024xf32, #tpu.memory_space<hbm>>
      %dma_start3A_432 = tpu.memref_slice %arg5[%arg0, %mul3A_0] : memref<2x16384xf32, #tpu.memory_space<hbm>> -> memref<1x1024xf32, #tpu.memory_space<hbm>>
      %dma_start3A_433 = tpu.memref_squeeze %dma_start3A_432 : memref<1x1024xf32, #tpu.memory_space<hbm>> -> memref<1024xf32, #tpu.memory_space<hbm>>
      tpu.enqueue_dma source(%arg10 : memref<1024xf32, #tpu.memory_space<vmem>>) target(%dma_start3A_433 : memref<1024xf32, #tpu.memory_space<hbm>>) target_semaphore(%run_scoped3A : memref<!tpu.dma_semaphore, #tpu.memory_space<semaphore_mem>>)
      %dma_wait3A_434 = tpu.memref_slice %arg5[%arg0, %mul3A_0] : memref<2x16384xf32, #tpu.memory_space<hbm>> -> memref<1x1024xf32, #tpu.memory_space<hbm>>
      %dma_wait3A_435 = tpu.memref_squeeze %dma_wait3A_434 : memref<1x1024xf32, #tpu.memory_space<hbm>> -> memref<1024xf32, #tpu.memory_space<hbm>>
      %dma_wait3A_436 = tpu.memref_slice %arg5[%arg0, %mul3A_0] : memref<2x16384xf32, #tpu.memory_space<hbm>> -> memref<1x1024xf32, #tpu.memory_space<hbm>>
      %dma_wait3A_437 = tpu.memref_squeeze %dma_wait3A_436 : memref<1x1024xf32, #tpu.memory_space<hbm>> -> memref<1024xf32, #tpu.memory_space<hbm>>
      tpu.wait_dma2 semaphore(%run_scoped3A : memref<!tpu.dma_semaphore, #tpu.memory_space<semaphore_mem>>) src(%arg10 : memref<1024xf32, #tpu.memory_space<vmem>>) dst(%dma_wait3A_437 : memref<1024xf32, #tpu.memory_space<hbm>>)
      tpu.yield
    }) : () -> ()
    return
  }
}

</mosaic_0001>

<sc_bundles>
// kernel: kernel.3.cloned.1.call-start
scs
__scs_entry_jumppad:
0x0: {  	(pc) =	sbr.rel $0x88, $3  }
0x1: {  	(tag) =	ssettag $0x0;
	lr =	simm.s32 $0x1  }
0x2: {  	[smem:$0x3F9D] =	sst lr;
	_ =	strace $0xD0000000  }
0x3: {  	_ = 	snop  }
0x4: {  	_ = 	snop  }
0x5: {  	_ = 	snop  }
0x6: {  	_ = 	snop  }
0x7: {  	_ = 	snop  }
__scs_overlays_trampoline_lowered:
0x8: {  	[smem:$0x3FAC] =	sst s0  }
0x9: {  	[smem:$0x3FAD] =	sst s1  }
0xa: {  	[smem:$0x3FAE] =	sst s2  }
0xb: {  	[smem:$0x3FAF] =	sst s3  }
0xc: {  	[smem:$0x3FB0] =	sst s4  }
0xd: {  	[smem:$0x3FB1] =	sst s5  }
0xe: {  	[smem:$0x3FB2] =	sst s6  }
0xf: {  	[smem:$0x3FB3] =	sst s7  }
0x10: {  	[smem:$0x3FB4] =	sst s8  }
0x11: {  	[smem:$0x3FB5] =	sst s9;
	s0 =	simm.s32 @!p0 $0x0  }
0x12: {  	s1 =	sld [smem:$0x3F9B];
	s0 =	simm.s32 @p0 $0x1  }
0x13: {  	[smem:$0x3FB6] =	sst s0;
	s0 =	simm.s32 @!p1 $0x0  }
0x14: {  	s2 =	sld [smem:$0x3F9A];
	s0 =	simm.s32 @p1 $0x1  }
0x15: {  	[smem:$0x3FB7] =	sst s0;
	s0 =	simm.s32 @!p2 $0x0  }
0x16: {  	s3 =	sld [smem:$0x3FDB];
	s0 =	simm.s32 @p2 $0x1  }
0x17: {  	s4 =	simm.s32 $0x1BF5;
	[smem:$0x3FB9] =	sst s0  }
0x18: {  	s0 =	sld [smem:$0x3F9C];
	_ =	swait.ge [sflag:s4], $0x0  }
0x19: {  	s7 =	sld [smem:$0x3F9D]  }
0x1a: {  	s8 =	sadd.s32 $0xFFFFE003, lr  }
0x1b: {  	s9 =	sadd.s32 $0xFFFFFEF7, lr;
	s5 =	simm.s32 $0xFFFFFFFF;
	p2 =	slt.u32 s8, $0xFFFFF086  }
0x1c: {  	p1 =	slt.u32 s9, $0xF7A;
	s5 =	simm.s32 @!p2 $0x0  }
0x1d: {  	s5 =	simm.s32 @p1 $0x1;
	p0 =	seq.s32 s7, s2  }
0x1e: {  	s7 =	smul.u32 @!p0 $0xF7A, s2;
	p2 =	seq.s32 @!p0 s5, $0x0  }
0x1f: {  	s9 =	smul.u32 $0xF7A, s1;
	s8 =	simm.s32 @!p0 $0x1BF5;
	p2 =	por !p2, p0  }
0x20: {  	[sflag:s8] =	ssyncset.s32 @!p0 $0xFFFFF086;
	s6 =	sadd.s32 @!p0 s3, s7;
	s7 =	simm.s32 @!p0 $0x108  }
0x21: {  	s3 =	sadd.s32 s3, s9;
	s6 =	sadd.s32 @!p0 $0x88, s6;
	s7 =	simm.s32 @p2 $0x1082  }
0x22: {  	[simem:s7], [sflag:s8] =	dma.local @!p0 [hbm:s6], $0xF7A  }
0x23: {  	s9 =	sor.u32 $0xD0000000, s2;
	s6 =	simm.s32 $0x108;
	_ =	swait.ge @!p0 [sflag:s8], $0x0  }
0x24: {  	s3 =	sadd.s32 $0x88, s3;
	s6 =	simm.s32 @!p1 $0x1082;
	[sflag:s4] =	ssyncset.s32 $0xFFFFF086  }
0x25: {  	[simem:s6], [sflag:s4] =	dma.local [hbm:s3], $0xF7A  }
0x26: {  	[smem:$0x3F9D] =	sst s1;
	(tag) =	ssettag s2;
	_ =	strace s9  }
0x27: {  	s1 =	sld [smem:$0x3FAD]  }
0x28: {  	s2 =	sld [smem:$0x3FAE]  }
0x29: {  	s4 =	sld [smem:$0x3FB0]  }
0x2a: {  	p0 =	seq.s32 s5, $0x0;
	s5 =	sld [smem:$0x3FB1]  }
0x2b: {  	s6 =	sld [smem:$0x3FB2]  }
0x2c: {  	s7 =	sld [smem:$0x3FB3]  }
0x2d: {  	s3 =	simm.s32 $0x108;
	s8 =	sld [smem:$0x3FB4]  }
0x2e: {  	s3 =	simm.s32 @!p0 $0x1082;
	s9 =	sld [smem:$0x3FB5]  }
0x2f: {  	lr =	sadd.s32 s0, s3;
	s0 =	sld [smem:$0x3FAC]  }
0x30: {  	s3 =	sld [smem:$0x3FAF]  }
0x31: {  	[smem:$0x3FB8] =	sst s10  }
0x32: {  	s10 =	sld [smem:$0x3FB6];
	_ =	sdelay $0x3  }
0x33: {  	p0 =	seq.s32 s10, $0x1;
	s10 =	sld [smem:$0x3FB8];
	_ =	sdelay $0x3  }
0x34: {  	[smem:$0x3FB8] =	sst s10  }
0x35: {  	s10 =	sld [smem:$0x3FB7];
	_ =	sdelay $0x3  }
0x36: {  	p1 =	seq.s32 s10, $0x1;
	s10 =	sld [smem:$0x3FB8];
	_ =	sdelay $0x3  }
0x37: {  	[smem:$0x3FB8] =	sst s10  }
0x38: {  	s10 =	sld [smem:$0x3FB9]  }
0x39: {  	_ = 	snop;
	(pc) =	sbr.ind lr, $3  }
0x3a: {  	_ = 	snop  }
0x3b: {  	_ = 	snop  }
0x3c: {  	p2 =	seq.s32 s10, $0x1;
	s10 =	sld [smem:$0x3FB8]  }
0x3d: {  	_ =	shalt  }
0x3e: {  	_ =	shalt  }
0x3f: {  	_ =	shalt  }
0x40: {  	_ =	shalt  }
0x41: {  	_ =	shalt  }
0x42: {  	_ =	shalt  }
0x43: {  	_ =	shalt  }
0x44: {  	_ =	shalt  }
0x45: {  	_ =	shalt  }
0x46: {  	_ =	shalt  }
0x47: {  	_ =	shalt  }
0x48: {  	_ =	shalt  }
0x49: {  	_ =	shalt  }
0x4a: {  	_ =	shalt  }
0x4b: {  	_ =	shalt  }
0x4c: {  	_ =	shalt  }
0x4d: {  	_ =	shalt  }
0x4e: {  	_ =	shalt  }
0x4f: {  	_ =	shalt  }
0x50: {  	_ =	shalt  }
0x51: {  	_ =	shalt  }
0x52: {  	_ =	shalt  }
0x53: {  	_ =	shalt  }
0x54: {  	_ =	shalt  }
0x55: {  	_ =	shalt  }
0x56: {  	_ =	shalt  }
0x57: {  	_ =	shalt  }
0x58: {  	_ =	shalt  }
0x59: {  	_ =	shalt  }
0x5a: {  	_ =	shalt  }
0x5b: {  	_ =	shalt  }
0x5c: {  	_ =	shalt  }
0x5d: {  	_ =	shalt  }
0x5e: {  	_ =	shalt  }
0x5f: {  	_ =	shalt  }
0x60: {  	_ =	shalt  }
0x61: {  	_ =	shalt  }
0x62: {  	_ =	shalt  }
0x63: {  	_ =	shalt  }
0x64: {  	_ =	shalt  }
0x65: {  	_ =	shalt  }
0x66: {  	_ =	shalt  }
0x67: {  	_ =	shalt  }
0x68: {  	_ =	shalt  }
0x69: {  	_ =	shalt  }
0x6a: {  	_ =	shalt  }
0x6b: {  	_ =	shalt  }
0x6c: {  	_ =	shalt  }
0x6d: {  	_ =	shalt  }
0x6e: {  	_ =	shalt  }
0x6f: {  	_ =	shalt  }
0x70: {  	_ =	shalt  }
0x71: {  	_ =	shalt  }
0x72: {  	_ =	shalt  }
0x73: {  	_ =	shalt  }
0x74: {  	_ =	shalt  }
0x75: {  	_ =	shalt  }
0x76: {  	_ =	shalt  }
0x77: {  	_ =	shalt  }
0x78: {  	_ =	shalt  }
0x79: {  	_ =	shalt  }
0x7a: {  	_ =	shalt  }
0x7b: {  	_ =	shalt  }
0x7c: {  	_ =	shalt  }
0x7d: {  	_ =	shalt  }
0x7e: {  	_ =	shalt  }
0x7f: {  	_ =	shalt  }
0x80: {  	_ =	shalt  }
0x81: {  	_ =	shalt  }
0x82: {  	_ =	shalt  }
0x83: {  	_ =	shalt  }
0x84: {  	_ =	shalt  }
0x85: {  	_ =	shalt  }
0x86: {  	_ =	shalt  }
0x87: {  	_ =	shalt  }
.Lfunc_end0:
.L_simem_size_0:
called_computation_lowered:
.L_overlay_start_0:
0x88: {  	s2 =	sld [smem:$0x3FD9]  }
0x89: {  	s3 =	sld [smem:$0x3FFE];
	_ =	sdelay $0x1  }
0x8a: {  	s1 =	srdreg.scid  }
0x8b: {  	s0 =	sand.u32 $0x1, s1  }
0x8c: {  	s17 =	sshll.u32 s0, $0xA;
	s2 =	sadd.s32 s3, s2  }
0x8d: {  	s2 =	sadd.s32 s2, s17  }
0x8e: {  	[smem:$0x3FC4] =	sst s2  }
0x8f: {  	_ = 	snop  }
0x90: {  	s2 =	sld [smem:$0x3FC9]  }
0x91: {  	s18 =	sld [smem:$0x3FD0];
	(tm) =	ssettm $0x1  }
0x92: {  	s4 =	sld [smem:$0x3FFB];
	_ =	sdelay $0x3  }
0x93: {  	_ =	strace s4  }
0x94: {  	s4 =	sld [smem:$0x3FFC];
	_ =	sdelay $0x3  }
0x95: {  	_ =	strace s4  }
0x96: {  	s4 =	sld [smem:$0x3FFD];
	_ =	sdelay $0x3  }
0x97: {  	_ =	strace s4  }
0x98: {  	_ =	strace $0x8FFFFFFF  }
0x99: {  	s19 =	sld [smem:$0x3FDB];
	_ =	sdelay $0x1  }
0x9a: {  	s5 =	simm.s32 $_scs_section_size  }
0x9b: {  	s6 =	simm.s32 $_size__tile_overlayer_lowered;
	s7 =	simm.s32 $_tile_overlayer_lowered  }
0x9c: {  	s22 =	simm.s32 $0x1BFF;
	s21 =	sshll.u32 s7, $0x1;
	s4 =	sadd.s32 s5, s19  }
0x9d: {  	s8 =	simm.s32 $0x0;
	s20 =	sshll.u32 s6, $0x1;
	s6 =	sadd.s32 s21, s4  }
0x9e: {  	[timem:s8], [sflag:s22] =	dma.local [hbm:s6], s20  }
0x9f: {  	_ =	swait.ge [sflag:s22], s20  }
0xa0: {  	s5 =	ssub.s32 $0x0, s20;
	[sflag:s22] =	ssyncset.done $0x0  }
0xa1: {  	[sflag:s22] =	ssyncadd.s32 s5;
	_ =	sdelay $0x1  }
0xa2: {  	s23 =	simm.s32 $0x1B8B  }
0xa3: {  	_ =	swait.ge [sflag:s23], $0x1  }
0xa4: {  	[sflag:s23] =	ssyncset.done $0x0  }
0xa5: {  	s25 =	simm.s32 $0x1B8E;
	s24 =	sld [smem:$0x3FFE];
	[sflag:s23] =	ssyncadd.s32 $0xFFFFFFFF  }
0xa6: {  	s26 =	simm.s32 $execute0_lowered;
	[smem:$0x3FD2] =	sst s25  }
0xa7: {  	s6 =	sshll.u32 s26, $0x1;
	_ =	strace $0x80000046;
	[dreg:$0x1] =	wrdreg $0xFFFFFFFF  }
0xa8: {  	s28 =	simm.s32 $_size_execute0_lowered;
	s4 =	sadd.s32 s4, s6;
	[dreg:$0x0] =	wrdreg $0x0  }
0xa9: {  	s6 =	sshll.u32 s28, $0x1;
	[dreg:$0x2] =	wrdreg s4  }
0xaa: {  	[dreg:$0x3] =	wrdreg s6  }
0xab: {  	[dreg:$0x4] =	wrdreg $0xC0  }
0xac: {  	_ =	task [dreg:s8], $0x5FFFF  }
0xad: {  	[dreg:$0x1] =	wrdreg $0xFFFFFFFF  }
0xae: {  	[dreg:$0x0] =	wrdreg $0x60  }
0xaf: {  	[dreg:$0x2] =	wrdreg s2  }
0xb0: {  	[dreg:$0x3] =	wrdreg s24  }
0xb1: {  	[dreg:$0x4] =	wrdreg s18  }
0xb2: {  	[dreg:$0x5] =	wrdreg $0x0  }
0xb3: {  	[dreg:$0x6] =	wrdreg $0x9  }
0xb4: {  	_ =	task.clear_ibuf [dreg:s8], $0x7FFFF;
	_ =	strace $0x90000046  }
0xb5: {  	s29 =	simm.s32 $0x9;
	_ =	strace $0x80000048  }
0xb6: {  	_ =	swait.ge [sflag:s29], $0x1  }
0xb7: {  	[sflag:s29] =	ssyncadd.s32 $0xFFFFFFFF  }
0xb8: {  	_ =	strace $0x90000048  }
0xb9: {  	_ =	sfence  }
0xba: {  	s30 =	sld [smem:$0x0];
	_ =	sdelay $0x2  }
0xbb: {  	s31 =	sshll.u32 s1, $0xD;
	s1 =	sshrl.u32 s1, $0x2  }
0xbc: {  	s3 =	sand.u32 $0x4000, s31;
	s1 =	sadd.s32 s1, s30  }
0xbd: {  	s0 =	sor.u32 s3, s0;
	s1 =	sshll.u32 s1, $0x11  }
0xbe: {  	s0 =	sor.u32 s1, s0  }
0xbf: {  	s0 =	sadd.s32 $0x8F2B, s0  }
0xc0: {  	[sflag:s0] =	ssyncadd.remote.s32 $0x1  }
0xc1: {  	_ =	sfence.sel $0xFFFF  }
0xc2: {  	[dreg:$0x0] =	wrdreg $0xFFFFFFFF;
	(pc) =	sbr.abs _section_cstart, $3  }
0xc3: {  	[dreg:$0x1] =	wrdreg $0xFFFFFFFF  }
0xc4: {  	_ =	task.clear_ibuf [dreg:s8], $0x2FFFF;
	_ =	strace $0x9FFFFFFF  }
0xc5: {  	(tm) =	ssettm $0x7FFFFFFF  }
tec
execute0_lowered:
.L_overlay_start_1:
0x0: {  	(tag) =	ssettag $0x1  }
0x1: {  	s0 =	rddreg [dreg:$0x0]  }
0x2: {  	s1 =	rddreg [dreg:$0x1]  }
0x3: {  	s2 =	srdreg.scid;
	s4 =	rddreg [dreg:$0x2]  }
0x4: {  	s22 =	rddreg [dreg:$0x3];
	s10 =	stileid.u32  }
0x5: {  	s3 =	simm.s32 $0x0;
	s28 =	simm.s32 $0x3;
	s30 =	simm.s32 $0x1  }
0x6: {  	s31 =	simm.s32 $0x400;
	s2 =	sand.u32 $0x1, s2;
	[smem:$0x7FF] =	sst s3  }
0x7: {  	s7 =	smul.u32 $0x61A80, s10;
	s8 =	sshll.u32 s10, $0x7;
	s11 =	sadd.s32 $0x7A120, s22  }
0x8: {  	s12 =	sadd.s32 $0x927C0, s22;
	s13 =	sadd.s32 $0xAAE60, s22;
	s14 =	sadd.s32 $0xC3500, s22  }
0x9: {  	s24 =	sshll.u32 s10, $0x6;
	s17 =	sadd.s32 $0x10C8E0, s22;
	s18 =	sadd.s32 $0x124F80, s22  }
0xa: {  	s15 =	sadd.s32 $0xDBBA0, s22;
	s19 =	sadd.s32 $0xF4240, s22;
	s20 =	sadd.s32 $0x13D620, s22  }
0xb: {  	s21 =	sadd.s32 $0x155CC0, s22;
	s5 =	sshll.u32 s2, $0x4;
	_ =	strace $0x80000047  }
0xc: {  	s6 =	ssub.s32 $0x2, s2;
	s0 =	sadd.s32 s0, s8;
	s26 =	sshll.u32 s2, $0x5  }
0xd: {  	s29 =	sshll.u32 s2, $0xB;
	s5 =	sor.u32 s10, s5;
	s9 =	sshrl.u32 s6, $0x1  }
0xe: {  	s7 =	sshrl.u32 s7, $0x2;
	[dreg:$0x7] =	wrdreg s0;
	s10 =	sadd.s32 $0x61A80, s22  }
0xf: {  	s16 =	sadd.s32 s4, s26;
	s26 =	simm.s32 $0x186A0;
	s5 =	smul.u32 $0x30D4, s5  }
0x10: {  	s6 =	ssub.s32 s6, s9;
	s25 =	sadd.s32 s7, s22;
	s7 =	sadd.s32 $0x186A0, s22  }
0x11: {  	s9 =	sadd.s32 $0x493E0, s22;
	s25 =	sshrl.u32 s25, $0x3;
	s5 =	sadd.s32 s5, s1  }
0x12: {  	s1 =	sadd.s32 s8, s1;
	s8 =	sadd.s32 $0x30D40, s22;
	s22 =	sadd.s32 $0x16E360, s22  }
0x13: {  	s5 =	sadd.s32 $0x600, s5;
	s0 =	sadd.s32 s29, s1;
	s1 =	simm.s32 $0x2  }
0x14: {  	[dreg:$0x5] =	wrdreg s5;
	s5 =	sor.u32 $0x1C01, s24;
	s23 =	sadd.s32 $0x62200, s0  }
0x15: {  	s24 =	smax.u32 s6, $0x1;
	s0 =	simm.s32 $0x0;
	[dreg:$0x6] =	wrdreg s5  }
.LBB2_1:
0x16: {  	s2 =	rddreg [dreg:$0x5]  }
0x17: {  	s4 =	rddreg [dreg:$0x6]  }
0x18: {  	[spmem:s25], [sflag:s4] =	dma.local [hbm:s2], $0x30D4  }
0x19: {  	s2 =	rddreg [dreg:$0x7]  }
0x1a: {  	[tilespmem:s26], [sflag:$0x3] =	stream.linear.gather [hbm4b:s2+s3], $0x400, $0x38;
	[tilespmem:$0x1CFA0] =	vst v63  }
0x1b: {  	_ =	swait.ge [sflag:s28], $0x400  }
0x1c: {  	[sflag:s28] =	ssyncset.done $0x0  }
0x1d: {  	s4 =	simm.s32 $0x18AA0;
	[sflag:s28] =	ssyncadd.s32 $0xFFFFFC00  }
0x1e: {  	[tilespmem:s4], [sflag:$0x3] =	stream.linear.gather [hbm4b:s16+s3], $0x100, $0x38;
	[tilespmem:$0x1CFA0] =	vst v63  }
0x1f: {  	_ =	swait.ge [sflag:s28], $0x100  }
0x20: {  	[sflag:s28] =	ssyncset.done $0x0  }
0x21: {  	[sflag:s28] =	ssyncadd.s32 $0xFFFFFF00  }
0x22: {  	_ =	swait.ge [sflag:s30], $0x30D4  }
0x23: {  	[sflag:s30] =	ssyncset.done $0x0  }
0x24: {  	[sflag:s30] =	ssyncadd.s32 $0xFFFFCF2C  }
0x25: {  	[bflag:$0x0] =	sbarrier.arrive $0xFFFF  }
0x26: {  	s6 =	simm.s32 $0x18BA0;
	s5 =	rddreg [dreg:$0x3]  }
0x27: {  	[tilespmem:s6], [sflag:$0x2] =	stream.indirect.gather [spmem:s5], $0x1, s26, s31, $0xb8;
	[tilespmem:$0x1CFA0] =	vst v63  }
0x28: {  	s4 =	simm.s32 $0x18FA0  }
0x29: {  	[tilespmem:s4], [sflag:$0x2] =	stream.indirect.gather [spmem:s7], $0x1, s26, s31, $0xb8;
	[tilespmem:$0x1CFA0] =	vst v63  }
0x2a: {  	s5 =	simm.s32 $0x193A0  }
0x2b: {  	[tilespmem:s5], [sflag:$0x2] =	stream.indirect.gather [spmem:s8], $0x1, s26, s31, $0xb8;
	[tilespmem:$0x1CFA0] =	vst v63  }
0x2c: {  	s6 =	simm.s32 $0x197A0  }
0x2d: {  	[tilespmem:s6], [sflag:$0x2] =	stream.indirect.gather [spmem:s9], $0x1, s26, s31, $0xb8;
	[tilespmem:$0x1CFA0] =	vst v63  }
0x2e: {  	s4 =	simm.s32 $0x19BA0  }
0x2f: {  	[tilespmem:s4], [sflag:$0x2] =	stream.indirect.gather [spmem:s10], $0x1, s26, s31, $0xb8;
	[tilespmem:$0x1CFA0] =	vst v63  }
0x30: {  	s5 =	simm.s32 $0x19FA0  }
0x31: {  	[tilespmem:s5], [sflag:$0x2] =	stream.indirect.gather [spmem:s11], $0x1, s26, s31, $0xb8;
	[tilespmem:$0x1CFA0] =	vst v63  }
0x32: {  	s6 =	simm.s32 $0x1A3A0  }
0x33: {  	[tilespmem:s6], [sflag:$0x2] =	stream.indirect.gather [spmem:s12], $0x1, s26, s31, $0xb8;
	[tilespmem:$0x1CFA0] =	vst v63  }
0x34: {  	s4 =	simm.s32 $0x1A7A0  }
0x35: {  	[tilespmem:s4], [sflag:$0x2] =	stream.indirect.gather [spmem:s13], $0x1, s26, s31, $0xb8;
	[tilespmem:$0x1CFA0] =	vst v63  }
0x36: {  	s5 =	simm.s32 $0x1ABA0  }
0x37: {  	[tilespmem:s5], [sflag:$0x2] =	stream.indirect.gather [spmem:s14], $0x1, s26, s31, $0xb8;
	[tilespmem:$0x1CFA0] =	vst v63  }
0x38: {  	s6 =	simm.s32 $0x1AFA0  }
0x39: {  	[tilespmem:s6], [sflag:$0x2] =	stream.indirect.gather [spmem:s15], $0x1, s26, s31, $0xb8;
	[tilespmem:$0x1CFA0] =	vst v63  }
0x3a: {  	s4 =	simm.s32 $0x1B3A0  }
0x3b: {  	[tilespmem:s4], [sflag:$0x2] =	stream.indirect.gather [spmem:s19], $0x1, s26, s31, $0xb8;
	[tilespmem:$0x1CFA0] =	vst v63  }
0x3c: {  	s5 =	simm.s32 $0x1B7A0  }
0x3d: {  	[tilespmem:s5], [sflag:$0x2] =	stream.indirect.gather [spmem:s17], $0x1, s26, s31, $0xb8;
	[tilespmem:$0x1CFA0] =	vst v63  }
0x3e: {  	s6 =	simm.s32 $0x1BBA0  }
0x3f: {  	[tilespmem:s6], [sflag:$0x2] =	stream.indirect.gather [spmem:s18], $0x1, s26, s31, $0xb8;
	[tilespmem:$0x1CFA0] =	vst v63  }
0x40: {  	s4 =	simm.s32 $0x1BFA0  }
0x41: {  	[tilespmem:s4], [sflag:$0x2] =	stream.indirect.gather [spmem:s20], $0x1, s26, s31, $0xb8;
	[tilespmem:$0x1CFA0] =	vst v63  }
0x42: {  	s5 =	simm.s32 $0x1C3A0  }
0x43: {  	[tilespmem:s5], [sflag:$0x2] =	stream.indirect.gather [spmem:s21], $0x1, s26, s31, $0xb8;
	[tilespmem:$0x1CFA0] =	vst v63  }
0x44: {  	s6 =	simm.s32 $0x1C7A0  }
0x45: {  	[tilespmem:s6], [sflag:$0x2] =	stream.indirect.gather [spmem:s22], $0x1, s26, s31, $0xb8;
	[tilespmem:$0x1CFA0] =	vst v63  }
0x46: {  	_ =	swait.ge [sflag:s1], $0x400  }
0x47: {  	[sflag:s1] =	ssyncset.done $0x0  }
0x48: {  	s4 =	simm.s32 $0x0;
	[sflag:s1] =	ssyncadd.s32 $0xFFFFFC00  }
0x49: {  	v3 =	vld [tilespmem:s4+$0x18BA0];
	_ =	sdelay $0x4  }
0x4a: {  	v1 =	vsub.f32 $0.0e+00, v3;
	_ =	sdelay $0x1  }
0x4b: {  	v1 =	vmul.f32 $1.442695020e+00, v1  }
0x4c: {  	s2 =	simm.s32 $0x10  }
0x4d: {  	v0 =	vld [tilespmem:s2+$0x18BA0];
	(erf) = vpow2.f32 v1;
	_ =	sdelay $0x4  }
0x4e: {  	v2 =	vsub.f32 $0.0e+00, v0;
	_ =	sdelay $0x2  }
0x4f: {  	v1 =	vmul.f32 $1.442695020e+00, v2  }
0x50: {  	v2 =	vpop (erf)  }
0x51: {  	s29 =	simm.s32 $0x20;
	(erf) = vpow2.f32 v1;
	v2 =	vadd.f32 $1.000000000e+00, v2  }
0x52: {  	v1 =	vld [tilespmem:s29+$0x18BA0]  }
0x53: {  	(erf) = vrcp.f32 v2;
	_ =	sdelay $0x2  }
0x54: {  	v4 =	vld [tilespmem:$0x18AA0]  }
0x55: {  	v5 =	vsub.f32 $0.0e+00, v1;
	_ =	sdelay $0x1  }
0x56: {  	v5 =	vmul.f32 $1.442695020e+00, v5  }
0x57: {  	v2 =	vpop (erf)  }
0x58: {  	s5 =	simm.s32 $0x30;
	s6 =	simm.s32 $0x100;
	v3 =	vmul.f32 v4, v3;
	(erf) = vpow2.f32 v5;
	v2 =	vadd.f32 $1.000000000e+00, v2  }
.LBB2_2:
0x59: {  	p0 =	sne.s32 s6, $0xFC0;
	v4 =	vld [tilespmem:s5+$0x18BA0];
	v5 =	vpop (erf)  }
0x5a: {  	(erf) = vrcp.f32 v2;
	v2 =	vmul.f32 v5, v3;
	_ =	sdelay $0x1  }
0x5b: {  	[tilespmem:s4+$0x1CBA0] =	vst v2;
	s4 =	smov.u32 s2;
	s2 =	smov.u32 s29;
	s29 =	smov.u32 s5  }
0x5c: {  	v3 =	vld [tilespmem:$0x18AA0]  }
.Ltmp0:
0x5d: {  	v2 =	vsub.f32 $0.0e+00, v4;
	(pc) =	sbr.rel @p0 .LBB2_2-.Ltmp0, $4  }
0x5e: {  	_ = 	snop  }
0x5f: {  	v2 =	vmul.f32 $1.442695020e+00, v2  }
0x60: {  	v5 =	vpop (erf)  }
0x61: {  	s5 =	sshra.s32 s6, $0x2;
	s6 =	sadd.s32 $0x40, s6;
	(erf) = vpow2.f32 v2;
	v2 =	vadd.f32 $1.000000000e+00, v5;
	v3 =	vmul.f32 v3, v0;
	v0 =	vmovc v1;
	v1 =	vmovc v4  }
0x62: {  	v4 =	vld [tilespmem:s5+$0x18BA0];
	v5 =	vpop (erf)  }
0x63: {  	(erf) = vrcp.f32 v2;
	v2 =	vmul.f32 v5, v3;
	_ =	sdelay $0x1  }
0x64: {  	[tilespmem:s4+$0x1CBA0] =	vst v2  }
0x65: {  	v2 =	vld [tilespmem:$0x18AA0]  }
0x66: {  	v3 =	vsub.f32 $0.0e+00, v4;
	_ =	sdelay $0x1  }
0x67: {  	v3 =	vmul.f32 $1.442695020e+00, v3  }
0x68: {  	v63 =	vpop (erf)  }
0x69: {  	(erf) = vpow2.f32 v3;
	v3 =	vadd.f32 $1.000000000e+00, v63;
	v0 =	vmul.f32 v2, v0  }
0x6a: {  	v2 =	vpop (erf)  }
0x6b: {  	(erf) = vrcp.f32 v3;
	v0 =	vmul.f32 v2, v0;
	_ =	sdelay $0x1  }
0x6c: {  	[tilespmem:s2+$0x1CBA0] =	vst v0  }
0x6d: {  	v0 =	vld [tilespmem:$0x18AA0];
	_ =	sdelay $0x3  }
0x6e: {  	v2 =	vpop (erf)  }
0x6f: {  	v2 =	vadd.f32 $1.000000000e+00, v2;
	v0 =	vmul.f32 v0, v1  }
0x70: {  	v1 =	vpop (erf)  }
0x71: {  	(erf) = vrcp.f32 v2;
	v0 =	vmul.f32 v1, v0;
	_ =	sdelay $0x1  }
0x72: {  	[tilespmem:s29+$0x1CBA0] =	vst v0  }
0x73: {  	v0 =	vld [tilespmem:$0x18AA0];
	_ =	sdelay $0x4  }
0x74: {  	v0 =	vmul.f32 v0, v4  }
0x75: {  	v1 =	vpop (erf)  }
0x76: {  	v0 =	vmul.f32 v1, v0;
	_ =	sdelay $0x1  }
0x77: {  	[tilespmem:s5+$0x1CBA0] =	vst v0  }
0x78: {  	_ =	swait.ge [sflag:s1], $0x400  }
0x79: {  	[sflag:s1] =	ssyncset.done $0x0  }
0x7a: {  	s29 =	simm.s32 $0x0;
	[sflag:s1] =	ssyncadd.s32 $0xFFFFFC00  }
0x7b: {  	v1 =	vld [tilespmem:s29+$0x18FA0];
	_ =	sdelay $0x4  }
0x7c: {  	v0 =	vsub.f32 $0.0e+00, v1;
	_ =	sdelay $0x1  }
0x7d: {  	v0 =	vmul.f32 $1.442695020e+00, v0;
	_ =	sdelay $0x1  }
0x7e: {  	(erf) = vpow2.f32 v0  }
0x7f: {  	s2 =	simm.s32 $0x10  }
0x80: {  	v0 =	vld [tilespmem:s2+$0x18FA0];
	_ =	sdelay $0x4  }
0x81: {  	v2 =	vsub.f32 $0.0e+00, v0;
	_ =	sdelay $0x1  }
0x82: {  	v2 =	vmul.f32 $1.442695020e+00, v2;
	v3 =	vpop (erf)  }
0x83: {  	v3 =	vadd.f32 $1.000000000e+00, v3  }
0x84: {  	(erf) = vpow2.f32 v2  }
0x85: {  	(erf) = vrcp.f32 v3  }
0x86: {  	s4 =	simm.s32 $0x20  }
0x87: {  	s5 =	simm.s32 $0xC0;
	v2 =	vld [tilespmem:s4+$0x18FA0]  }
.LBB2_4:
0x88: {  	p0 =	sne.s32 s5, $0xFC0;
	v3 =	vld [tilespmem:$0x18AB0];
	s6 =	smov.u32 s4;
	_ =	sdelay $0x3  }
0x89: {  	v7 =	vsub.f32 $0.0e+00, v2;
	v5 =	vld [tilespmem:s29+$0x1CBA0]  }
0x8a: {  	v6 =	vpop (erf);
	v3 =	vmul.f32 v3, v1;
	v1 =	vmov v0;
	v0 =	vmov v2  }
0x8b: {  	v2 =	vmul.f32 $1.442695020e+00, v7;
	v4 =	vpop (erf)  }
.Ltmp1:
0x8c: {  	v6 =	vadd.f32 $1.000000000e+00, v6;
	v3 =	vmul.f32 v4, v3;
	(pc) =	sbr.rel @p0 .LBB2_4-.Ltmp1, $4  }
0x8d: {  	(erf) = vpow2.f32 v2  }
0x8e: {  	(erf) = vrcp.f32 v6;
	v3 =	vadd.f32 v3, v5  }
0x8f: {  	s4 =	sshra.s32 s5, $0x2  }
0x90: {  	s5 =	sadd.s32 $0x40, s5;
	v2 =	vld [tilespmem:s4+$0x18FA0];
	[tilespmem:s29+$0x1CBA0] =	vst v3;
	s29 =	smov.u32 s2;
	s2 =	smov.u32 s6  }
0x91: {  	v3 =	vld [tilespmem:$0x18AB0];
	_ =	sdelay $0x3  }
0x92: {  	v5 =	vld [tilespmem:s29+$0x1CBA0];
	v4 =	vsub.f32 $0.0e+00, v2  }
0x93: {  	v6 =	vpop (erf);
	v1 =	vmul.f32 v3, v1  }
0x94: {  	v3 =	vmul.f32 $1.442695020e+00, v4;
	v62 =	vpop (erf)  }
0x95: {  	v6 =	vadd.f32 $1.000000000e+00, v6;
	v1 =	vmul.f32 v62, v1  }
0x96: {  	(erf) = vpow2.f32 v3  }
0x97: {  	(erf) = vrcp.f32 v6;
	v1 =	vadd.f32 v1, v5;
	_ =	sdelay $0x1  }
0x98: {  	[tilespmem:s29+$0x1CBA0] =	vst v1  }
0x99: {  	v1 =	vld [tilespmem:$0x18AB0];
	_ =	sdelay $0x3  }
0x9a: {  	v3 =	vld [tilespmem:s2+$0x1CBA0]  }
0x9b: {  	v63 =	vpop (erf);
	v0 =	vmul.f32 v1, v0  }
0x9c: {  	v1 =	vpop (erf)  }
0x9d: {  	v4 =	vadd.f32 $1.000000000e+00, v63;
	v0 =	vmul.f32 v1, v0;
	_ =	sdelay $0x1  }
0x9e: {  	(erf) = vrcp.f32 v4;
	v0 =	vadd.f32 v0, v3;
	_ =	sdelay $0x1  }
0x9f: {  	[tilespmem:s2+$0x1CBA0] =	vst v0  }
0xa0: {  	v0 =	vld [tilespmem:$0x18AB0];
	_ =	sdelay $0x3  }
0xa1: {  	v1 =	vld [tilespmem:s4+$0x1CBA0]  }
0xa2: {  	v0 =	vmul.f32 v0, v2  }
0xa3: {  	v2 =	vpop (erf)  }
0xa4: {  	v0 =	vmul.f32 v2, v0;
	_ =	sdelay $0x1  }
0xa5: {  	v0 =	vadd.f32 v0, v1;
	_ =	sdelay $0x1  }
0xa6: {  	[tilespmem:s4+$0x1CBA0] =	vst v0  }
0xa7: {  	_ =	swait.ge [sflag:s1], $0x400  }
0xa8: {  	[sflag:s1] =	ssyncset.done $0x0  }
0xa9: {  	s29 =	simm.s32 $0x0;
	[sflag:s1] =	ssyncadd.s32 $0xFFFFFC00  }
0xaa: {  	v1 =	vld [tilespmem:s29+$0x193A0];
	_ =	sdelay $0x4  }
0xab: {  	v0 =	vsub.f32 $0.0e+00, v1;
	_ =	sdelay $0x1  }
0xac: {  	v0 =	vmul.f32 $1.442695020e+00, v0;
	_ =	sdelay $0x1  }
0xad: {  	(erf) = vpow2.f32 v0  }
0xae: {  	s2 =	simm.s32 $0x10  }
0xaf: {  	v0 =	vld [tilespmem:s2+$0x193A0];
	_ =	sdelay $0x4  }
0xb0: {  	v2 =	vsub.f32 $0.0e+00, v0;
	_ =	sdelay $0x1  }
0xb1: {  	v2 =	vmul.f32 $1.442695020e+00, v2;
	v3 =	vpop (erf)  }
0xb2: {  	v3 =	vadd.f32 $1.000000000e+00, v3  }
0xb3: {  	(erf) = vpow2.f32 v2  }
0xb4: {  	(erf) = vrcp.f32 v3  }
0xb5: {  	s4 =	simm.s32 $0x20  }
0xb6: {  	s5 =	simm.s32 $0xC0;
	v2 =	vld [tilespmem:s4+$0x193A0]  }
.LBB2_6:
0xb7: {  	p0 =	sne.s32 s5, $0xFC0;
	v3 =	vld [tilespmem:$0x18AC0];
	s6 =	smov.u32 s4;
	_ =	sdelay $0x3  }
0xb8: {  	v7 =	vsub.f32 $0.0e+00, v2;
	v5 =	vld [tilespmem:s29+$0x1CBA0]  }
0xb9: {  	v6 =	vpop (erf);
	v3 =	vmul.f32 v3, v1;
	v1 =	vmov v0;
	v0 =	vmov v2  }
0xba: {  	v2 =	vmul.f32 $1.442695020e+00, v7;
	v4 =	vpop (erf)  }
.Ltmp2:
0xbb: {  	v6 =	vadd.f32 $1.000000000e+00, v6;
	v3 =	vmul.f32 v4, v3;
	(pc) =	sbr.rel @p0 .LBB2_6-.Ltmp2, $4  }
0xbc: {  	(erf) = vpow2.f32 v2  }
0xbd: {  	(erf) = vrcp.f32 v6;
	v3 =	vadd.f32 v3, v5  }
0xbe: {  	s4 =	sshra.s32 s5, $0x2  }
0xbf: {  	s5 =	sadd.s32 $0x40, s5;
	v2 =	vld [tilespmem:s4+$0x193A0];
	[tilespmem:s29+$0x1CBA0] =	vst v3;
	s29 =	smov.u32 s2;
	s2 =	smov.u32 s6  }
0xc0: {  	v3 =	vld [tilespmem:$0x18AC0];
	_ =	sdelay $0x3  }
0xc1: {  	v5 =	vld [tilespmem:s29+$0x1CBA0];
	v4 =	vsub.f32 $0.0e+00, v2  }
0xc2: {  	v6 =	vpop (erf);
	v1 =	vmul.f32 v3, v1  }
0xc3: {  	v3 =	vmul.f32 $1.442695020e+00, v4;
	v62 =	vpop (erf)  }
0xc4: {  	v6 =	vadd.f32 $1.000000000e+00, v6;
	v1 =	vmul.f32 v62, v1  }
0xc5: {  	(erf) = vpow2.f32 v3  }
0xc6: {  	(erf) = vrcp.f32 v6;
	v1 =	vadd.f32 v1, v5;
	_ =	sdelay $0x1  }
0xc7: {  	[tilespmem:s29+$0x1CBA0] =	vst v1  }
0xc8: {  	v1 =	vld [tilespmem:$0x18AC0];
	_ =	sdelay $0x3  }
0xc9: {  	v3 =	vld [tilespmem:s2+$0x1CBA0]  }
0xca: {  	v63 =	vpop (erf);
	v0 =	vmul.f32 v1, v0  }
0xcb: {  	v1 =	vpop (erf)  }
0xcc: {  	v4 =	vadd.f32 $1.000000000e+00, v63;
	v0 =	vmul.f32 v1, v0;
	_ =	sdelay $0x1  }
0xcd: {  	(erf) = vrcp.f32 v4;
	v0 =	vadd.f32 v0, v3;
	_ =	sdelay $0x1  }
0xce: {  	[tilespmem:s2+$0x1CBA0] =	vst v0  }
0xcf: {  	v0 =	vld [tilespmem:$0x18AC0];
	_ =	sdelay $0x3  }
0xd0: {  	v1 =	vld [tilespmem:s4+$0x1CBA0]  }
0xd1: {  	v0 =	vmul.f32 v0, v2  }
0xd2: {  	v2 =	vpop (erf)  }
0xd3: {  	v0 =	vmul.f32 v2, v0;
	_ =	sdelay $0x1  }
0xd4: {  	v0 =	vadd.f32 v0, v1;
	_ =	sdelay $0x1  }
0xd5: {  	[tilespmem:s4+$0x1CBA0] =	vst v0  }
0xd6: {  	_ =	swait.ge [sflag:s1], $0x400  }
0xd7: {  	[sflag:s1] =	ssyncset.done $0x0  }
0xd8: {  	s29 =	simm.s32 $0x0;
	[sflag:s1] =	ssyncadd.s32 $0xFFFFFC00  }
0xd9: {  	v1 =	vld [tilespmem:s29+$0x197A0];
	_ =	sdelay $0x4  }
0xda: {  	v0 =	vsub.f32 $0.0e+00, v1;
	_ =	sdelay $0x1  }
0xdb: {  	v0 =	vmul.f32 $1.442695020e+00, v0;
	_ =	sdelay $0x1  }
0xdc: {  	(erf) = vpow2.f32 v0  }
0xdd: {  	s2 =	simm.s32 $0x10  }
0xde: {  	v0 =	vld [tilespmem:s2+$0x197A0];
	_ =	sdelay $0x4  }
0xdf: {  	v2 =	vsub.f32 $0.0e+00, v0;
	_ =	sdelay $0x1  }
0xe0: {  	v2 =	vmul.f32 $1.442695020e+00, v2;
	v3 =	vpop (erf)  }
0xe1: {  	v3 =	vadd.f32 $1.000000000e+00, v3  }
0xe2: {  	(erf) = vpow2.f32 v2  }
0xe3: {  	(erf) = vrcp.f32 v3  }
0xe4: {  	s4 =	simm.s32 $0x20  }
0xe5: {  	s5 =	simm.s32 $0xC0;
	v2 =	vld [tilespmem:s4+$0x197A0]  }
.LBB2_8:
0xe6: {  	p0 =	sne.s32 s5, $0xFC0;
	v3 =	vld [tilespmem:$0x18AD0];
	s6 =	smov.u32 s4;
	_ =	sdelay $0x3  }
0xe7: {  	v7 =	vsub.f32 $0.0e+00, v2;
	v5 =	vld [tilespmem:s29+$0x1CBA0]  }
0xe8: {  	v6 =	vpop (erf);
	v3 =	vmul.f32 v3, v1;
	v1 =	vmov v0;
	v0 =	vmov v2  }
0xe9: {  	v2 =	vmul.f32 $1.442695020e+00, v7;
	v4 =	vpop (erf)  }
.Ltmp3:
0xea: {  	v6 =	vadd.f32 $1.000000000e+00, v6;
	v3 =	vmul.f32 v4, v3;
	(pc) =	sbr.rel @p0 .LBB2_8-.Ltmp3, $4  }
0xeb: {  	(erf) = vpow2.f32 v2  }
0xec: {  	(erf) = vrcp.f32 v6;
	v3 =	vadd.f32 v3, v5  }
0xed: {  	s4 =	sshra.s32 s5, $0x2  }
0xee: {  	s5 =	sadd.s32 $0x40, s5;
	v2 =	vld [tilespmem:s4+$0x197A0];
	[tilespmem:s29+$0x1CBA0] =	vst v3;
	s29 =	smov.u32 s2;
	s2 =	smov.u32 s6  }
0xef: {  	v3 =	vld [tilespmem:$0x18AD0];
	_ =	sdelay $0x3  }
0xf0: {  	v5 =	vld [tilespmem:s29+$0x1CBA0];
	v4 =	vsub.f32 $0.0e+00, v2  }
0xf1: {  	v6 =	vpop (erf);
	v1 =	vmul.f32 v3, v1  }
0xf2: {  	v3 =	vmul.f32 $1.442695020e+00, v4;
	v62 =	vpop (erf)  }
0xf3: {  	v6 =	vadd.f32 $1.000000000e+00, v6;
	v1 =	vmul.f32 v62, v1  }
0xf4: {  	(erf) = vpow2.f32 v3  }
0xf5: {  	(erf) = vrcp.f32 v6;
	v1 =	vadd.f32 v1, v5;
	_ =	sdelay $0x1  }
0xf6: {  	[tilespmem:s29+$0x1CBA0] =	vst v1  }
0xf7: {  	v1 =	vld [tilespmem:$0x18AD0];
	_ =	sdelay $0x3  }
0xf8: {  	v3 =	vld [tilespmem:s2+$0x1CBA0]  }
0xf9: {  	v63 =	vpop (erf);
	v0 =	vmul.f32 v1, v0  }
0xfa: {  	v1 =	vpop (erf)  }
0xfb: {  	v4 =	vadd.f32 $1.000000000e+00, v63;
	v0 =	vmul.f32 v1, v0;
	_ =	sdelay $0x1  }
0xfc: {  	(erf) = vrcp.f32 v4;
	v0 =	vadd.f32 v0, v3;
	_ =	sdelay $0x1  }
0xfd: {  	[tilespmem:s2+$0x1CBA0] =	vst v0  }
0xfe: {  	v0 =	vld [tilespmem:$0x18AD0];
	_ =	sdelay $0x3  }
0xff: {  	v1 =	vld [tilespmem:s4+$0x1CBA0]  }
0x100: {  	v0 =	vmul.f32 v0, v2  }
0x101: {  	v2 =	vpop (erf)  }
0x102: {  	v0 =	vmul.f32 v2, v0;
	_ =	sdelay $0x1  }
0x103: {  	v0 =	vadd.f32 v0, v1;
	_ =	sdelay $0x1  }
0x104: {  	[tilespmem:s4+$0x1CBA0] =	vst v0  }
0x105: {  	_ =	swait.ge [sflag:s1], $0x400  }
0x106: {  	[sflag:s1] =	ssyncset.done $0x0  }
0x107: {  	s29 =	simm.s32 $0x0;
	[sflag:s1] =	ssyncadd.s32 $0xFFFFFC00  }
0x108: {  	v1 =	vld [tilespmem:s29+$0x19BA0];
	_ =	sdelay $0x4  }
0x109: {  	v0 =	vsub.f32 $0.0e+00, v1;
	_ =	sdelay $0x1  }
0x10a: {  	v0 =	vmul.f32 $1.442695020e+00, v0;
	_ =	sdelay $0x1  }
0x10b: {  	(erf) = vpow2.f32 v0  }
0x10c: {  	s2 =	simm.s32 $0x10  }
0x10d: {  	v0 =	vld [tilespmem:s2+$0x19BA0];
	_ =	sdelay $0x4  }
0x10e: {  	v2 =	vsub.f32 $0.0e+00, v0;
	_ =	sdelay $0x1  }
0x10f: {  	v2 =	vmul.f32 $1.442695020e+00, v2;
	v3 =	vpop (erf)  }
0x110: {  	v3 =	vadd.f32 $1.000000000e+00, v3  }
0x111: {  	(erf) = vpow2.f32 v2  }
0x112: {  	(erf) = vrcp.f32 v3  }
0x113: {  	s4 =	simm.s32 $0x20  }
0x114: {  	s5 =	simm.s32 $0xC0;
	v2 =	vld [tilespmem:s4+$0x19BA0]  }
.LBB2_10:
0x115: {  	p0 =	sne.s32 s5, $0xFC0;
	v3 =	vld [tilespmem:$0x18AE0];
	s6 =	smov.u32 s4;
	_ =	sdelay $0x3  }
0x116: {  	v7 =	vsub.f32 $0.0e+00, v2;
	v5 =	vld [tilespmem:s29+$0x1CBA0]  }
0x117: {  	v6 =	vpop (erf);
	v3 =	vmul.f32 v3, v1;
	v1 =	vmov v0;
	v0 =	vmov v2  }
0x118: {  	v2 =	vmul.f32 $1.442695020e+00, v7;
	v4 =	vpop (erf)  }
.Ltmp4:
0x119: {  	v6 =	vadd.f32 $1.000000000e+00, v6;
	v3 =	vmul.f32 v4, v3;
	(pc) =	sbr.rel @p0 .LBB2_10-.Ltmp4, $4  }
0x11a: {  	(erf) = vpow2.f32 v2  }
0x11b: {  	(erf) = vrcp.f32 v6;
	v3 =	vadd.f32 v3, v5  }
0x11c: {  	s4 =	sshra.s32 s5, $0x2  }
0x11d: {  	s5 =	sadd.s32 $0x40, s5;
	v2 =	vld [tilespmem:s4+$0x19BA0];
	[tilespmem:s29+$0x1CBA0] =	vst v3;
	s29 =	smov.u32 s2;
	s2 =	smov.u32 s6  }
0x11e: {  	v3 =	vld [tilespmem:$0x18AE0];
	_ =	sdelay $0x3  }
0x11f: {  	v5 =	vld [tilespmem:s29+$0x1CBA0];
	v4 =	vsub.f32 $0.0e+00, v2  }
0x120: {  	v6 =	vpop (erf);
	v1 =	vmul.f32 v3, v1  }
0x121: {  	v3 =	vmul.f32 $1.442695020e+00, v4;
	v62 =	vpop (erf)  }
0x122: {  	v6 =	vadd.f32 $1.000000000e+00, v6;
	v1 =	vmul.f32 v62, v1  }
0x123: {  	(erf) = vpow2.f32 v3  }
0x124: {  	(erf) = vrcp.f32 v6;
	v1 =	vadd.f32 v1, v5;
	_ =	sdelay $0x1  }
0x125: {  	[tilespmem:s29+$0x1CBA0] =	vst v1  }
0x126: {  	v1 =	vld [tilespmem:$0x18AE0];
	_ =	sdelay $0x3  }
0x127: {  	v3 =	vld [tilespmem:s2+$0x1CBA0]  }
0x128: {  	v63 =	vpop (erf);
	v0 =	vmul.f32 v1, v0  }
0x129: {  	v1 =	vpop (erf)  }
0x12a: {  	v4 =	vadd.f32 $1.000000000e+00, v63;
	v0 =	vmul.f32 v1, v0;
	_ =	sdelay $0x1  }
0x12b: {  	(erf) = vrcp.f32 v4;
	v0 =	vadd.f32 v0, v3;
	_ =	sdelay $0x1  }
0x12c: {  	[tilespmem:s2+$0x1CBA0] =	vst v0  }
0x12d: {  	v0 =	vld [tilespmem:$0x18AE0];
	_ =	sdelay $0x3  }
0x12e: {  	v1 =	vld [tilespmem:s4+$0x1CBA0]  }
0x12f: {  	v0 =	vmul.f32 v0, v2  }
0x130: {  	v2 =	vpop (erf)  }
0x131: {  	v0 =	vmul.f32 v2, v0;
	_ =	sdelay $0x1  }
0x132: {  	v0 =	vadd.f32 v0, v1;
	_ =	sdelay $0x1  }
0x133: {  	[tilespmem:s4+$0x1CBA0] =	vst v0  }
0x134: {  	_ =	swait.ge [sflag:s1], $0x400  }
0x135: {  	[sflag:s1] =	ssyncset.done $0x0  }
0x136: {  	s29 =	simm.s32 $0x0;
	[sflag:s1] =	ssyncadd.s32 $0xFFFFFC00  }
0x137: {  	v1 =	vld [tilespmem:s29+$0x19FA0];
	_ =	sdelay $0x4  }
0x138: {  	v0 =	vsub.f32 $0.0e+00, v1;
	_ =	sdelay $0x1  }
0x139: {  	v0 =	vmul.f32 $1.442695020e+00, v0;
	_ =	sdelay $0x1  }
0x13a: {  	(erf) = vpow2.f32 v0  }
0x13b: {  	s2 =	simm.s32 $0x10  }
0x13c: {  	v0 =	vld [tilespmem:s2+$0x19FA0];
	_ =	sdelay $0x4  }
0x13d: {  	v2 =	vsub.f32 $0.0e+00, v0;
	_ =	sdelay $0x1  }
0x13e: {  	v2 =	vmul.f32 $1.442695020e+00, v2;
	v3 =	vpop (erf)  }
0x13f: {  	v3 =	vadd.f32 $1.000000000e+00, v3  }
0x140: {  	(erf) = vpow2.f32 v2  }
0x141: {  	(erf) = vrcp.f32 v3  }
0x142: {  	s4 =	simm.s32 $0x20  }
0x143: {  	s5 =	simm.s32 $0xC0;
	v2 =	vld [tilespmem:s4+$0x19FA0]  }
.LBB2_12:
0x144: {  	p0 =	sne.s32 s5, $0xFC0;
	v3 =	vld [tilespmem:$0x18AF0];
	s6 =	smov.u32 s4;
	_ =	sdelay $0x3  }
0x145: {  	v7 =	vsub.f32 $0.0e+00, v2;
	v5 =	vld [tilespmem:s29+$0x1CBA0]  }
0x146: {  	v6 =	vpop (erf);
	v3 =	vmul.f32 v3, v1;
	v1 =	vmov v0;
	v0 =	vmov v2  }
0x147: {  	v2 =	vmul.f32 $1.442695020e+00, v7;
	v4 =	vpop (erf)  }
.Ltmp5:
0x148: {  	v6 =	vadd.f32 $1.000000000e+00, v6;
	v3 =	vmul.f32 v4, v3;
	(pc) =	sbr.rel @p0 .LBB2_12-.Ltmp5, $4  }
0x149: {  	(erf) = vpow2.f32 v2  }
0x14a: {  	(erf) = vrcp.f32 v6;
	v3 =	vadd.f32 v3, v5  }
0x14b: {  	s4 =	sshra.s32 s5, $0x2  }
0x14c: {  	s5 =	sadd.s32 $0x40, s5;
	v2 =	vld [tilespmem:s4+$0x19FA0];
	[tilespmem:s29+$0x1CBA0] =	vst v3;
	s29 =	smov.u32 s2;
	s2 =	smov.u32 s6  }
0x14d: {  	v3 =	vld [tilespmem:$0x18AF0];
	_ =	sdelay $0x3  }
0x14e: {  	v5 =	vld [tilespmem:s29+$0x1CBA0];
	v4 =	vsub.f32 $0.0e+00, v2  }
0x14f: {  	v6 =	vpop (erf);
	v1 =	vmul.f32 v3, v1  }
0x150: {  	v3 =	vmul.f32 $1.442695020e+00, v4;
	v62 =	vpop (erf)  }
0x151: {  	v6 =	vadd.f32 $1.000000000e+00, v6;
	v1 =	vmul.f32 v62, v1  }
0x152: {  	(erf) = vpow2.f32 v3  }
0x153: {  	(erf) = vrcp.f32 v6;
	v1 =	vadd.f32 v1, v5;
	_ =	sdelay $0x1  }
0x154: {  	[tilespmem:s29+$0x1CBA0] =	vst v1  }
0x155: {  	v1 =	vld [tilespmem:$0x18AF0];
	_ =	sdelay $0x3  }
0x156: {  	v3 =	vld [tilespmem:s2+$0x1CBA0]  }
0x157: {  	v63 =	vpop (erf);
	v0 =	vmul.f32 v1, v0  }
0x158: {  	v1 =	vpop (erf)  }
0x159: {  	v4 =	vadd.f32 $1.000000000e+00, v63;
	v0 =	vmul.f32 v1, v0;
	_ =	sdelay $0x1  }
0x15a: {  	(erf) = vrcp.f32 v4;
	v0 =	vadd.f32 v0, v3;
	_ =	sdelay $0x1  }
0x15b: {  	[tilespmem:s2+$0x1CBA0] =	vst v0  }
0x15c: {  	v0 =	vld [tilespmem:$0x18AF0];
	_ =	sdelay $0x3  }
0x15d: {  	v1 =	vld [tilespmem:s4+$0x1CBA0]  }
0x15e: {  	v0 =	vmul.f32 v0, v2  }
0x15f: {  	v2 =	vpop (erf)  }
0x160: {  	v0 =	vmul.f32 v2, v0;
	_ =	sdelay $0x1  }
0x161: {  	v0 =	vadd.f32 v0, v1;
	_ =	sdelay $0x1  }
0x162: {  	[tilespmem:s4+$0x1CBA0] =	vst v0  }
0x163: {  	_ =	swait.ge [sflag:s1], $0x400  }
0x164: {  	[sflag:s1] =	ssyncset.done $0x0  }
0x165: {  	s29 =	simm.s32 $0x0;
	[sflag:s1] =	ssyncadd.s32 $0xFFFFFC00  }
0x166: {  	v1 =	vld [tilespmem:s29+$0x1A3A0];
	_ =	sdelay $0x4  }
0x167: {  	v0 =	vsub.f32 $0.0e+00, v1;
	_ =	sdelay $0x1  }
0x168: {  	v0 =	vmul.f32 $1.442695020e+00, v0;
	_ =	sdelay $0x1  }
0x169: {  	(erf) = vpow2.f32 v0  }
0x16a: {  	s2 =	simm.s32 $0x10  }
0x16b: {  	v0 =	vld [tilespmem:s2+$0x1A3A0];
	_ =	sdelay $0x4  }
0x16c: {  	v2 =	vsub.f32 $0.0e+00, v0;
	_ =	sdelay $0x1  }
0x16d: {  	v2 =	vmul.f32 $1.442695020e+00, v2;
	v3 =	vpop (erf)  }
0x16e: {  	v3 =	vadd.f32 $1.000000000e+00, v3  }
0x16f: {  	(erf) = vpow2.f32 v2  }
0x170: {  	(erf) = vrcp.f32 v3  }
0x171: {  	s4 =	simm.s32 $0x20  }
0x172: {  	s5 =	simm.s32 $0xC0;
	v2 =	vld [tilespmem:s4+$0x1A3A0]  }
.LBB2_14:
0x173: {  	p0 =	sne.s32 s5, $0xFC0;
	v3 =	vld [tilespmem:$0x18B00];
	s6 =	smov.u32 s4;
	_ =	sdelay $0x3  }
0x174: {  	v7 =	vsub.f32 $0.0e+00, v2;
	v5 =	vld [tilespmem:s29+$0x1CBA0]  }
0x175: {  	v6 =	vpop (erf);
	v3 =	vmul.f32 v3, v1;
	v1 =	vmov v0;
	v0 =	vmov v2  }
0x176: {  	v2 =	vmul.f32 $1.442695020e+00, v7;
	v4 =	vpop (erf)  }
.Ltmp6:
0x177: {  	v6 =	vadd.f32 $1.000000000e+00, v6;
	v3 =	vmul.f32 v4, v3;
	(pc) =	sbr.rel @p0 .LBB2_14-.Ltmp6, $4  }
0x178: {  	(erf) = vpow2.f32 v2  }
0x179: {  	(erf) = vrcp.f32 v6;
	v3 =	vadd.f32 v3, v5  }
0x17a: {  	s4 =	sshra.s32 s5, $0x2  }
0x17b: {  	s5 =	sadd.s32 $0x40, s5;
	v2 =	vld [tilespmem:s4+$0x1A3A0];
	[tilespmem:s29+$0x1CBA0] =	vst v3;
	s29 =	smov.u32 s2;
	s2 =	smov.u32 s6  }
0x17c: {  	v3 =	vld [tilespmem:$0x18B00];
	_ =	sdelay $0x3  }
0x17d: {  	v5 =	vld [tilespmem:s29+$0x1CBA0];
	v4 =	vsub.f32 $0.0e+00, v2  }
0x17e: {  	v6 =	vpop (erf);
	v1 =	vmul.f32 v3, v1  }
0x17f: {  	v3 =	vmul.f32 $1.442695020e+00, v4;
	v62 =	vpop (erf)  }
0x180: {  	v6 =	vadd.f32 $1.000000000e+00, v6;
	v1 =	vmul.f32 v62, v1  }
0x181: {  	(erf) = vpow2.f32 v3  }
0x182: {  	(erf) = vrcp.f32 v6;
	v1 =	vadd.f32 v1, v5;
	_ =	sdelay $0x1  }
0x183: {  	[tilespmem:s29+$0x1CBA0] =	vst v1  }
0x184: {  	v1 =	vld [tilespmem:$0x18B00];
	_ =	sdelay $0x3  }
0x185: {  	v3 =	vld [tilespmem:s2+$0x1CBA0]  }
0x186: {  	v63 =	vpop (erf);
	v0 =	vmul.f32 v1, v0  }
0x187: {  	v1 =	vpop (erf)  }
0x188: {  	v4 =	vadd.f32 $1.000000000e+00, v63;
	v0 =	vmul.f32 v1, v0;
	_ =	sdelay $0x1  }
0x189: {  	(erf) = vrcp.f32 v4;
	v0 =	vadd.f32 v0, v3;
	_ =	sdelay $0x1  }
0x18a: {  	[tilespmem:s2+$0x1CBA0] =	vst v0  }
0x18b: {  	v0 =	vld [tilespmem:$0x18B00];
	_ =	sdelay $0x3  }
0x18c: {  	v1 =	vld [tilespmem:s4+$0x1CBA0]  }
0x18d: {  	v0 =	vmul.f32 v0, v2  }
0x18e: {  	v2 =	vpop (erf)  }
0x18f: {  	v0 =	vmul.f32 v2, v0;
	_ =	sdelay $0x1  }
0x190: {  	v0 =	vadd.f32 v0, v1;
	_ =	sdelay $0x1  }
0x191: {  	[tilespmem:s4+$0x1CBA0] =	vst v0  }
0x192: {  	_ =	swait.ge [sflag:s1], $0x400  }
0x193: {  	[sflag:s1] =	ssyncset.done $0x0  }
0x194: {  	s29 =	simm.s32 $0x0;
	[sflag:s1] =	ssyncadd.s32 $0xFFFFFC00  }
0x195: {  	v1 =	vld [tilespmem:s29+$0x1A7A0];
	_ =	sdelay $0x4  }
0x196: {  	v0 =	vsub.f32 $0.0e+00, v1;
	_ =	sdelay $0x1  }
0x197: {  	v0 =	vmul.f32 $1.442695020e+00, v0;
	_ =	sdelay $0x1  }
0x198: {  	(erf) = vpow2.f32 v0  }
0x199: {  	s2 =	simm.s32 $0x10  }
0x19a: {  	v0 =	vld [tilespmem:s2+$0x1A7A0];
	_ =	sdelay $0x4  }
0x19b: {  	v2 =	vsub.f32 $0.0e+00, v0;
	_ =	sdelay $0x1  }
0x19c: {  	v2 =	vmul.f32 $1.442695020e+00, v2;
	v3 =	vpop (erf)  }
0x19d: {  	v3 =	vadd.f32 $1.000000000e+00, v3  }
0x19e: {  	(erf) = vpow2.f32 v2  }
0x19f: {  	(erf) = vrcp.f32 v3  }
0x1a0: {  	s4 =	simm.s32 $0x20  }
0x1a1: {  	s5 =	simm.s32 $0xC0;
	v2 =	vld [tilespmem:s4+$0x1A7A0]  }
.LBB2_16:
0x1a2: {  	p0 =	sne.s32 s5, $0xFC0;
	v3 =	vld [tilespmem:$0x18B10];
	s6 =	smov.u32 s4;
	_ =	sdelay $0x3  }
0x1a3: {  	v7 =	vsub.f32 $0.0e+00, v2;
	v5 =	vld [tilespmem:s29+$0x1CBA0]  }
0x1a4: {  	v6 =	vpop (erf);
	v3 =	vmul.f32 v3, v1;
	v1 =	vmov v0;
	v0 =	vmov v2  }
0x1a5: {  	v2 =	vmul.f32 $1.442695020e+00, v7;
	v4 =	vpop (erf)  }
.Ltmp7:
0x1a6: {  	v6 =	vadd.f32 $1.000000000e+00, v6;
	v3 =	vmul.f32 v4, v3;
	(pc) =	sbr.rel @p0 .LBB2_16-.Ltmp7, $4  }
0x1a7: {  	(erf) = vpow2.f32 v2  }
0x1a8: {  	(erf) = vrcp.f32 v6;
	v3 =	vadd.f32 v3, v5  }
0x1a9: {  	s4 =	sshra.s32 s5, $0x2  }
0x1aa: {  	s5 =	sadd.s32 $0x40, s5;
	v2 =	vld [tilespmem:s4+$0x1A7A0];
	[tilespmem:s29+$0x1CBA0] =	vst v3;
	s29 =	smov.u32 s2;
	s2 =	smov.u32 s6  }
0x1ab: {  	v3 =	vld [tilespmem:$0x18B10];
	_ =	sdelay $0x3  }
0x1ac: {  	v5 =	vld [tilespmem:s29+$0x1CBA0];
	v4 =	vsub.f32 $0.0e+00, v2  }
0x1ad: {  	v6 =	vpop (erf);
	v1 =	vmul.f32 v3, v1  }
0x1ae: {  	v3 =	vmul.f32 $1.442695020e+00, v4;
	v62 =	vpop (erf)  }
0x1af: {  	v6 =	vadd.f32 $1.000000000e+00, v6;
	v1 =	vmul.f32 v62, v1  }
0x1b0: {  	(erf) = vpow2.f32 v3  }
0x1b1: {  	(erf) = vrcp.f32 v6;
	v1 =	vadd.f32 v1, v5;
	_ =	sdelay $0x1  }
0x1b2: {  	[tilespmem:s29+$0x1CBA0] =	vst v1  }
0x1b3: {  	v1 =	vld [tilespmem:$0x18B10];
	_ =	sdelay $0x3  }
0x1b4: {  	v3 =	vld [tilespmem:s2+$0x1CBA0]  }
0x1b5: {  	v63 =	vpop (erf);
	v0 =	vmul.f32 v1, v0  }
0x1b6: {  	v1 =	vpop (erf)  }
0x1b7: {  	v4 =	vadd.f32 $1.000000000e+00, v63;
	v0 =	vmul.f32 v1, v0;
	_ =	sdelay $0x1  }
0x1b8: {  	(erf) = vrcp.f32 v4;
	v0 =	vadd.f32 v0, v3;
	_ =	sdelay $0x1  }
0x1b9: {  	[tilespmem:s2+$0x1CBA0] =	vst v0  }
0x1ba: {  	v0 =	vld [tilespmem:$0x18B10];
	_ =	sdelay $0x3  }
0x1bb: {  	v1 =	vld [tilespmem:s4+$0x1CBA0]  }
0x1bc: {  	v0 =	vmul.f32 v0, v2  }
0x1bd: {  	v2 =	vpop (erf)  }
0x1be: {  	v0 =	vmul.f32 v2, v0;
	_ =	sdelay $0x1  }
0x1bf: {  	v0 =	vadd.f32 v0, v1;
	_ =	sdelay $0x1  }
0x1c0: {  	[tilespmem:s4+$0x1CBA0] =	vst v0  }
0x1c1: {  	_ =	swait.ge [sflag:s1], $0x400  }
0x1c2: {  	[sflag:s1] =	ssyncset.done $0x0  }
0x1c3: {  	s29 =	simm.s32 $0x0;
	[sflag:s1] =	ssyncadd.s32 $0xFFFFFC00  }
0x1c4: {  	v1 =	vld [tilespmem:s29+$0x1ABA0];
	_ =	sdelay $0x4  }
0x1c5: {  	v0 =	vsub.f32 $0.0e+00, v1;
	_ =	sdelay $0x1  }
0x1c6: {  	v0 =	vmul.f32 $1.442695020e+00, v0;
	_ =	sdelay $0x1  }
0x1c7: {  	(erf) = vpow2.f32 v0  }
0x1c8: {  	s2 =	simm.s32 $0x10  }
0x1c9: {  	v0 =	vld [tilespmem:s2+$0x1ABA0];
	_ =	sdelay $0x4  }
0x1ca: {  	v2 =	vsub.f32 $0.0e+00, v0;
	_ =	sdelay $0x1  }
0x1cb: {  	v2 =	vmul.f32 $1.442695020e+00, v2;
	v3 =	vpop (erf)  }
0x1cc: {  	v3 =	vadd.f32 $1.000000000e+00, v3  }
0x1cd: {  	(erf) = vpow2.f32 v2  }
0x1ce: {  	(erf) = vrcp.f32 v3  }
0x1cf: {  	s4 =	simm.s32 $0x20  }
0x1d0: {  	s5 =	simm.s32 $0xC0;
	v2 =	vld [tilespmem:s4+$0x1ABA0]  }
.LBB2_18:
0x1d1: {  	p0 =	sne.s32 s5, $0xFC0;
	v3 =	vld [tilespmem:$0x18B20];
	s6 =	smov.u32 s4;
	_ =	sdelay $0x3  }
0x1d2: {  	v7 =	vsub.f32 $0.0e+00, v2;
	v5 =	vld [tilespmem:s29+$0x1CBA0]  }
0x1d3: {  	v6 =	vpop (erf);
	v3 =	vmul.f32 v3, v1;
	v1 =	vmov v0;
	v0 =	vmov v2  }
0x1d4: {  	v2 =	vmul.f32 $1.442695020e+00, v7;
	v4 =	vpop (erf)  }
.Ltmp8:
0x1d5: {  	v6 =	vadd.f32 $1.000000000e+00, v6;
	v3 =	vmul.f32 v4, v3;
	(pc) =	sbr.rel @p0 .LBB2_18-.Ltmp8, $4  }
0x1d6: {  	(erf) = vpow2.f32 v2  }
0x1d7: {  	(erf) = vrcp.f32 v6;
	v3 =	vadd.f32 v3, v5  }
0x1d8: {  	s4 =	sshra.s32 s5, $0x2  }
0x1d9: {  	s5 =	sadd.s32 $0x40, s5;
	v2 =	vld [tilespmem:s4+$0x1ABA0];
	[tilespmem:s29+$0x1CBA0] =	vst v3;
	s29 =	smov.u32 s2;
	s2 =	smov.u32 s6  }
0x1da: {  	v3 =	vld [tilespmem:$0x18B20];
	_ =	sdelay $0x3  }
0x1db: {  	v5 =	vld [tilespmem:s29+$0x1CBA0];
	v4 =	vsub.f32 $0.0e+00, v2  }
0x1dc: {  	v6 =	vpop (erf);
	v1 =	vmul.f32 v3, v1  }
0x1dd: {  	v3 =	vmul.f32 $1.442695020e+00, v4;
	v62 =	vpop (erf)  }
0x1de: {  	v6 =	vadd.f32 $1.000000000e+00, v6;
	v1 =	vmul.f32 v62, v1  }
0x1df: {  	(erf) = vpow2.f32 v3  }
0x1e0: {  	(erf) = vrcp.f32 v6;
	v1 =	vadd.f32 v1, v5;
	_ =	sdelay $0x1  }
0x1e1: {  	[tilespmem:s29+$0x1CBA0] =	vst v1  }
0x1e2: {  	v1 =	vld [tilespmem:$0x18B20];
	_ =	sdelay $0x3  }
0x1e3: {  	v3 =	vld [tilespmem:s2+$0x1CBA0]  }
0x1e4: {  	v63 =	vpop (erf);
	v0 =	vmul.f32 v1, v0  }
0x1e5: {  	v1 =	vpop (erf)  }
0x1e6: {  	v4 =	vadd.f32 $1.000000000e+00, v63;
	v0 =	vmul.f32 v1, v0;
	_ =	sdelay $0x1  }
0x1e7: {  	(erf) = vrcp.f32 v4;
	v0 =	vadd.f32 v0, v3;
	_ =	sdelay $0x1  }
0x1e8: {  	[tilespmem:s2+$0x1CBA0] =	vst v0  }
0x1e9: {  	v0 =	vld [tilespmem:$0x18B20];
	_ =	sdelay $0x3  }
0x1ea: {  	v1 =	vld [tilespmem:s4+$0x1CBA0]  }
0x1eb: {  	v0 =	vmul.f32 v0, v2  }
0x1ec: {  	v2 =	vpop (erf)  }
0x1ed: {  	v0 =	vmul.f32 v2, v0;
	_ =	sdelay $0x1  }
0x1ee: {  	v0 =	vadd.f32 v0, v1;
	_ =	sdelay $0x1  }
0x1ef: {  	[tilespmem:s4+$0x1CBA0] =	vst v0  }
0x1f0: {  	_ =	swait.ge [sflag:s1], $0x400  }
0x1f1: {  	[sflag:s1] =	ssyncset.done $0x0  }
0x1f2: {  	s29 =	simm.s32 $0x0;
	[sflag:s1] =	ssyncadd.s32 $0xFFFFFC00  }
0x1f3: {  	v1 =	vld [tilespmem:s29+$0x1AFA0];
	_ =	sdelay $0x4  }
0x1f4: {  	v0 =	vsub.f32 $0.0e+00, v1;
	_ =	sdelay $0x1  }
0x1f5: {  	v0 =	vmul.f32 $1.442695020e+00, v0;
	_ =	sdelay $0x1  }
0x1f6: {  	(erf) = vpow2.f32 v0  }
0x1f7: {  	s2 =	simm.s32 $0x10  }
0x1f8: {  	v0 =	vld [tilespmem:s2+$0x1AFA0];
	_ =	sdelay $0x4  }
0x1f9: {  	v2 =	vsub.f32 $0.0e+00, v0;
	_ =	sdelay $0x1  }
0x1fa: {  	v2 =	vmul.f32 $1.442695020e+00, v2;
	v3 =	vpop (erf)  }
0x1fb: {  	v3 =	vadd.f32 $1.000000000e+00, v3  }
0x1fc: {  	(erf) = vpow2.f32 v2  }
0x1fd: {  	(erf) = vrcp.f32 v3  }
0x1fe: {  	s4 =	simm.s32 $0x20  }
0x1ff: {  	s5 =	simm.s32 $0xC0;
	v2 =	vld [tilespmem:s4+$0x1AFA0]  }
.LBB2_20:
0x200: {  	p0 =	sne.s32 s5, $0xFC0;
	v3 =	vld [tilespmem:$0x18B30];
	s6 =	smov.u32 s4;
	_ =	sdelay $0x3  }
0x201: {  	v7 =	vsub.f32 $0.0e+00, v2;
	v5 =	vld [tilespmem:s29+$0x1CBA0]  }
0x202: {  	v6 =	vpop (erf);
	v3 =	vmul.f32 v3, v1;
	v1 =	vmov v0;
	v0 =	vmov v2  }
0x203: {  	v2 =	vmul.f32 $1.442695020e+00, v7;
	v4 =	vpop (erf)  }
.Ltmp9:
0x204: {  	v6 =	vadd.f32 $1.000000000e+00, v6;
	v3 =	vmul.f32 v4, v3;
	(pc) =	sbr.rel @p0 .LBB2_20-.Ltmp9, $4  }
0x205: {  	(erf) = vpow2.f32 v2  }
0x206: {  	(erf) = vrcp.f32 v6;
	v3 =	vadd.f32 v3, v5  }
0x207: {  	s4 =	sshra.s32 s5, $0x2  }
0x208: {  	s5 =	sadd.s32 $0x40, s5;
	v2 =	vld [tilespmem:s4+$0x1AFA0];
	[tilespmem:s29+$0x1CBA0] =	vst v3;
	s29 =	smov.u32 s2;
	s2 =	smov.u32 s6  }
0x209: {  	v3 =	vld [tilespmem:$0x18B30];
	_ =	sdelay $0x3  }
0x20a: {  	v5 =	vld [tilespmem:s29+$0x1CBA0];
	v4 =	vsub.f32 $0.0e+00, v2  }
0x20b: {  	v6 =	vpop (erf);
	v1 =	vmul.f32 v3, v1  }
0x20c: {  	v3 =	vmul.f32 $1.442695020e+00, v4;
	v62 =	vpop (erf)  }
0x20d: {  	v6 =	vadd.f32 $1.000000000e+00, v6;
	v1 =	vmul.f32 v62, v1  }
0x20e: {  	(erf) = vpow2.f32 v3  }
0x20f: {  	(erf) = vrcp.f32 v6;
	v1 =	vadd.f32 v1, v5;
	_ =	sdelay $0x1  }
0x210: {  	[tilespmem:s29+$0x1CBA0] =	vst v1  }
0x211: {  	v1 =	vld [tilespmem:$0x18B30];
	_ =	sdelay $0x3  }
0x212: {  	v3 =	vld [tilespmem:s2+$0x1CBA0]  }
0x213: {  	v63 =	vpop (erf);
	v0 =	vmul.f32 v1, v0  }
0x214: {  	v1 =	vpop (erf)  }
0x215: {  	v4 =	vadd.f32 $1.000000000e+00, v63;
	v0 =	vmul.f32 v1, v0;
	_ =	sdelay $0x1  }
0x216: {  	(erf) = vrcp.f32 v4;
	v0 =	vadd.f32 v0, v3;
	_ =	sdelay $0x1  }
0x217: {  	[tilespmem:s2+$0x1CBA0] =	vst v0  }
0x218: {  	v0 =	vld [tilespmem:$0x18B30];
	_ =	sdelay $0x3  }
0x219: {  	v1 =	vld [tilespmem:s4+$0x1CBA0]  }
0x21a: {  	v0 =	vmul.f32 v0, v2  }
0x21b: {  	v2 =	vpop (erf)  }
0x21c: {  	v0 =	vmul.f32 v2, v0;
	_ =	sdelay $0x1  }
0x21d: {  	v0 =	vadd.f32 v0, v1;
	_ =	sdelay $0x1  }
0x21e: {  	[tilespmem:s4+$0x1CBA0] =	vst v0  }
0x21f: {  	_ =	swait.ge [sflag:s1], $0x400  }
0x220: {  	[sflag:s1] =	ssyncset.done $0x0  }
0x221: {  	s29 =	simm.s32 $0x0;
	[sflag:s1] =	ssyncadd.s32 $0xFFFFFC00  }
0x222: {  	v1 =	vld [tilespmem:s29+$0x1B3A0];
	_ =	sdelay $0x4  }
0x223: {  	v0 =	vsub.f32 $0.0e+00, v1;
	_ =	sdelay $0x1  }
0x224: {  	v0 =	vmul.f32 $1.442695020e+00, v0;
	_ =	sdelay $0x1  }
0x225: {  	(erf) = vpow2.f32 v0  }
0x226: {  	s2 =	simm.s32 $0x10  }
0x227: {  	v0 =	vld [tilespmem:s2+$0x1B3A0];
	_ =	sdelay $0x4  }
0x228: {  	v2 =	vsub.f32 $0.0e+00, v0;
	_ =	sdelay $0x1  }
0x229: {  	v2 =	vmul.f32 $1.442695020e+00, v2;
	v3 =	vpop (erf)  }
0x22a: {  	v3 =	vadd.f32 $1.000000000e+00, v3  }
0x22b: {  	(erf) = vpow2.f32 v2  }
0x22c: {  	(erf) = vrcp.f32 v3  }
0x22d: {  	s4 =	simm.s32 $0x20  }
0x22e: {  	s5 =	simm.s32 $0xC0;
	v2 =	vld [tilespmem:s4+$0x1B3A0]  }
.LBB2_22:
0x22f: {  	p0 =	sne.s32 s5, $0xFC0;
	v3 =	vld [tilespmem:$0x18B40];
	s6 =	smov.u32 s4;
	_ =	sdelay $0x3  }
0x230: {  	v7 =	vsub.f32 $0.0e+00, v2;
	v5 =	vld [tilespmem:s29+$0x1CBA0]  }
0x231: {  	v6 =	vpop (erf);
	v3 =	vmul.f32 v3, v1;
	v1 =	vmov v0;
	v0 =	vmov v2  }
0x232: {  	v2 =	vmul.f32 $1.442695020e+00, v7;
	v4 =	vpop (erf)  }
.Ltmp10:
0x233: {  	v6 =	vadd.f32 $1.000000000e+00, v6;
	v3 =	vmul.f32 v4, v3;
	(pc) =	sbr.rel @p0 .LBB2_22-.Ltmp10, $4  }
0x234: {  	(erf) = vpow2.f32 v2  }
0x235: {  	(erf) = vrcp.f32 v6;
	v3 =	vadd.f32 v3, v5  }
0x236: {  	s4 =	sshra.s32 s5, $0x2  }
0x237: {  	s5 =	sadd.s32 $0x40, s5;
	v2 =	vld [tilespmem:s4+$0x1B3A0];
	[tilespmem:s29+$0x1CBA0] =	vst v3;
	s29 =	smov.u32 s2;
	s2 =	smov.u32 s6  }
0x238: {  	v3 =	vld [tilespmem:$0x18B40];
	_ =	sdelay $0x3  }
0x239: {  	v5 =	vld [tilespmem:s29+$0x1CBA0];
	v4 =	vsub.f32 $0.0e+00, v2  }
0x23a: {  	v6 =	vpop (erf);
	v1 =	vmul.f32 v3, v1  }
0x23b: {  	v3 =	vmul.f32 $1.442695020e+00, v4;
	v62 =	vpop (erf)  }
0x23c: {  	v6 =	vadd.f32 $1.000000000e+00, v6;
	v1 =	vmul.f32 v62, v1  }
0x23d: {  	(erf) = vpow2.f32 v3  }
0x23e: {  	(erf) = vrcp.f32 v6;
	v1 =	vadd.f32 v1, v5;
	_ =	sdelay $0x1  }
0x23f: {  	[tilespmem:s29+$0x1CBA0] =	vst v1  }
0x240: {  	v1 =	vld [tilespmem:$0x18B40];
	_ =	sdelay $0x3  }
0x241: {  	v3 =	vld [tilespmem:s2+$0x1CBA0]  }
0x242: {  	v63 =	vpop (erf);
	v0 =	vmul.f32 v1, v0  }
0x243: {  	v1 =	vpop (erf)  }
0x244: {  	v4 =	vadd.f32 $1.000000000e+00, v63;
	v0 =	vmul.f32 v1, v0;
	_ =	sdelay $0x1  }
0x245: {  	(erf) = vrcp.f32 v4;
	v0 =	vadd.f32 v0, v3;
	_ =	sdelay $0x1  }
0x246: {  	[tilespmem:s2+$0x1CBA0] =	vst v0  }
0x247: {  	v0 =	vld [tilespmem:$0x18B40];
	_ =	sdelay $0x3  }
0x248: {  	v1 =	vld [tilespmem:s4+$0x1CBA0]  }
0x249: {  	v0 =	vmul.f32 v0, v2  }
0x24a: {  	v2 =	vpop (erf)  }
0x24b: {  	v0 =	vmul.f32 v2, v0;
	_ =	sdelay $0x1  }
0x24c: {  	v0 =	vadd.f32 v0, v1;
	_ =	sdelay $0x1  }
0x24d: {  	[tilespmem:s4+$0x1CBA0] =	vst v0  }
0x24e: {  	_ =	swait.ge [sflag:s1], $0x400  }
0x24f: {  	[sflag:s1] =	ssyncset.done $0x0  }
0x250: {  	s29 =	simm.s32 $0x0;
	[sflag:s1] =	ssyncadd.s32 $0xFFFFFC00  }
0x251: {  	v1 =	vld [tilespmem:s29+$0x1B7A0];
	_ =	sdelay $0x4  }
0x252: {  	v0 =	vsub.f32 $0.0e+00, v1;
	_ =	sdelay $0x1  }
0x253: {  	v0 =	vmul.f32 $1.442695020e+00, v0;
	_ =	sdelay $0x1  }
0x254: {  	(erf) = vpow2.f32 v0  }
0x255: {  	s2 =	simm.s32 $0x10  }
0x256: {  	v0 =	vld [tilespmem:s2+$0x1B7A0];
	_ =	sdelay $0x4  }
0x257: {  	v2 =	vsub.f32 $0.0e+00, v0;
	_ =	sdelay $0x1  }
0x258: {  	v2 =	vmul.f32 $1.442695020e+00, v2;
	v3 =	vpop (erf)  }
0x259: {  	v3 =	vadd.f32 $1.000000000e+00, v3  }
0x25a: {  	(erf) = vpow2.f32 v2  }
0x25b: {  	(erf) = vrcp.f32 v3  }
0x25c: {  	s4 =	simm.s32 $0x20  }
0x25d: {  	s5 =	simm.s32 $0xC0;
	v2 =	vld [tilespmem:s4+$0x1B7A0]  }
.LBB2_24:
0x25e: {  	p0 =	sne.s32 s5, $0xFC0;
	v3 =	vld [tilespmem:$0x18B50];
	s6 =	smov.u32 s4;
	_ =	sdelay $0x3  }
0x25f: {  	v7 =	vsub.f32 $0.0e+00, v2;
	v5 =	vld [tilespmem:s29+$0x1CBA0]  }
0x260: {  	v6 =	vpop (erf);
	v3 =	vmul.f32 v3, v1;
	v1 =	vmov v0;
	v0 =	vmov v2  }
0x261: {  	v2 =	vmul.f32 $1.442695020e+00, v7;
	v4 =	vpop (erf)  }
.Ltmp11:
0x262: {  	v6 =	vadd.f32 $1.000000000e+00, v6;
	v3 =	vmul.f32 v4, v3;
	(pc) =	sbr.rel @p0 .LBB2_24-.Ltmp11, $4  }
0x263: {  	(erf) = vpow2.f32 v2  }
0x264: {  	(erf) = vrcp.f32 v6;
	v3 =	vadd.f32 v3, v5  }
0x265: {  	s4 =	sshra.s32 s5, $0x2  }
0x266: {  	s5 =	sadd.s32 $0x40, s5;
	v2 =	vld [tilespmem:s4+$0x1B7A0];
	[tilespmem:s29+$0x1CBA0] =	vst v3;
	s29 =	smov.u32 s2;
	s2 =	smov.u32 s6  }
0x267: {  	v3 =	vld [tilespmem:$0x18B50];
	_ =	sdelay $0x3  }
0x268: {  	v5 =	vld [tilespmem:s29+$0x1CBA0];
	v4 =	vsub.f32 $0.0e+00, v2  }
0x269: {  	v6 =	vpop (erf);
	v1 =	vmul.f32 v3, v1  }
0x26a: {  	v3 =	vmul.f32 $1.442695020e+00, v4;
	v62 =	vpop (erf)  }
0x26b: {  	v6 =	vadd.f32 $1.000000000e+00, v6;
	v1 =	vmul.f32 v62, v1  }
0x26c: {  	(erf) = vpow2.f32 v3  }
0x26d: {  	(erf) = vrcp.f32 v6;
	v1 =	vadd.f32 v1, v5;
	_ =	sdelay $0x1  }
0x26e: {  	[tilespmem:s29+$0x1CBA0] =	vst v1  }
0x26f: {  	v1 =	vld [tilespmem:$0x18B50];
	_ =	sdelay $0x3  }
0x270: {  	v3 =	vld [tilespmem:s2+$0x1CBA0]  }
0x271: {  	v63 =	vpop (erf);
	v0 =	vmul.f32 v1, v0  }
0x272: {  	v1 =	vpop (erf)  }
0x273: {  	v4 =	vadd.f32 $1.000000000e+00, v63;
	v0 =	vmul.f32 v1, v0;
	_ =	sdelay $0x1  }
0x274: {  	(erf) = vrcp.f32 v4;
	v0 =	vadd.f32 v0, v3;
	_ =	sdelay $0x1  }
0x275: {  	[tilespmem:s2+$0x1CBA0] =	vst v0  }
0x276: {  	v0 =	vld [tilespmem:$0x18B50];
	_ =	sdelay $0x3  }
0x277: {  	v1 =	vld [tilespmem:s4+$0x1CBA0]  }
0x278: {  	v0 =	vmul.f32 v0, v2  }
0x279: {  	v2 =	vpop (erf)  }
0x27a: {  	v0 =	vmul.f32 v2, v0;
	_ =	sdelay $0x1  }
0x27b: {  	v0 =	vadd.f32 v0, v1;
	_ =	sdelay $0x1  }
0x27c: {  	[tilespmem:s4+$0x1CBA0] =	vst v0  }
0x27d: {  	_ =	swait.ge [sflag:s1], $0x400  }
0x27e: {  	[sflag:s1] =	ssyncset.done $0x0  }
0x27f: {  	s29 =	simm.s32 $0x0;
	[sflag:s1] =	ssyncadd.s32 $0xFFFFFC00  }
0x280: {  	v1 =	vld [tilespmem:s29+$0x1BBA0];
	_ =	sdelay $0x4  }
0x281: {  	v0 =	vsub.f32 $0.0e+00, v1;
	_ =	sdelay $0x1  }
0x282: {  	v0 =	vmul.f32 $1.442695020e+00, v0;
	_ =	sdelay $0x1  }
0x283: {  	(erf) = vpow2.f32 v0  }
0x284: {  	s2 =	simm.s32 $0x10  }
0x285: {  	v0 =	vld [tilespmem:s2+$0x1BBA0];
	_ =	sdelay $0x4  }
0x286: {  	v2 =	vsub.f32 $0.0e+00, v0;
	_ =	sdelay $0x1  }
0x287: {  	v2 =	vmul.f32 $1.442695020e+00, v2;
	v3 =	vpop (erf)  }
0x288: {  	v3 =	vadd.f32 $1.000000000e+00, v3  }
0x289: {  	(erf) = vpow2.f32 v2  }
0x28a: {  	(erf) = vrcp.f32 v3  }
0x28b: {  	s4 =	simm.s32 $0x20  }
0x28c: {  	s5 =	simm.s32 $0xC0;
	v2 =	vld [tilespmem:s4+$0x1BBA0]  }
.LBB2_26:
0x28d: {  	p0 =	sne.s32 s5, $0xFC0;
	v3 =	vld [tilespmem:$0x18B60];
	s6 =	smov.u32 s4;
	_ =	sdelay $0x3  }
0x28e: {  	v7 =	vsub.f32 $0.0e+00, v2;
	v5 =	vld [tilespmem:s29+$0x1CBA0]  }
0x28f: {  	v6 =	vpop (erf);
	v3 =	vmul.f32 v3, v1;
	v1 =	vmov v0;
	v0 =	vmov v2  }
0x290: {  	v2 =	vmul.f32 $1.442695020e+00, v7;
	v4 =	vpop (erf)  }
.Ltmp12:
0x291: {  	v6 =	vadd.f32 $1.000000000e+00, v6;
	v3 =	vmul.f32 v4, v3;
	(pc) =	sbr.rel @p0 .LBB2_26-.Ltmp12, $4  }
0x292: {  	(erf) = vpow2.f32 v2  }
0x293: {  	(erf) = vrcp.f32 v6;
	v3 =	vadd.f32 v3, v5  }
0x294: {  	s4 =	sshra.s32 s5, $0x2  }
0x295: {  	s5 =	sadd.s32 $0x40, s5;
	v2 =	vld [tilespmem:s4+$0x1BBA0];
	[tilespmem:s29+$0x1CBA0] =	vst v3;
	s29 =	smov.u32 s2;
	s2 =	smov.u32 s6  }
0x296: {  	v3 =	vld [tilespmem:$0x18B60];
	_ =	sdelay $0x3  }
0x297: {  	v5 =	vld [tilespmem:s29+$0x1CBA0];
	v4 =	vsub.f32 $0.0e+00, v2  }
0x298: {  	v6 =	vpop (erf);
	v1 =	vmul.f32 v3, v1  }
0x299: {  	v3 =	vmul.f32 $1.442695020e+00, v4;
	v62 =	vpop (erf)  }
0x29a: {  	v6 =	vadd.f32 $1.000000000e+00, v6;
	v1 =	vmul.f32 v62, v1  }
0x29b: {  	(erf) = vpow2.f32 v3  }
0x29c: {  	(erf) = vrcp.f32 v6;
	v1 =	vadd.f32 v1, v5;
	_ =	sdelay $0x1  }
0x29d: {  	[tilespmem:s29+$0x1CBA0] =	vst v1  }
0x29e: {  	v1 =	vld [tilespmem:$0x18B60];
	_ =	sdelay $0x3  }
0x29f: {  	v3 =	vld [tilespmem:s2+$0x1CBA0]  }
0x2a0: {  	v63 =	vpop (erf);
	v0 =	vmul.f32 v1, v0  }
0x2a1: {  	v1 =	vpop (erf)  }
0x2a2: {  	v4 =	vadd.f32 $1.000000000e+00, v63;
	v0 =	vmul.f32 v1, v0;
	_ =	sdelay $0x1  }
0x2a3: {  	(erf) = vrcp.f32 v4;
	v0 =	vadd.f32 v0, v3;
	_ =	sdelay $0x1  }
0x2a4: {  	[tilespmem:s2+$0x1CBA0] =	vst v0  }
0x2a5: {  	v0 =	vld [tilespmem:$0x18B60];
	_ =	sdelay $0x3  }
0x2a6: {  	v1 =	vld [tilespmem:s4+$0x1CBA0]  }
0x2a7: {  	v0 =	vmul.f32 v0, v2  }
0x2a8: {  	v2 =	vpop (erf)  }
0x2a9: {  	v0 =	vmul.f32 v2, v0;
	_ =	sdelay $0x1  }
0x2aa: {  	v0 =	vadd.f32 v0, v1;
	_ =	sdelay $0x1  }
0x2ab: {  	[tilespmem:s4+$0x1CBA0] =	vst v0  }
0x2ac: {  	_ =	swait.ge [sflag:s1], $0x400  }
0x2ad: {  	[sflag:s1] =	ssyncset.done $0x0  }
0x2ae: {  	s29 =	simm.s32 $0x0;
	[sflag:s1] =	ssyncadd.s32 $0xFFFFFC00  }
0x2af: {  	v1 =	vld [tilespmem:s29+$0x1BFA0];
	_ =	sdelay $0x4  }
0x2b0: {  	v0 =	vsub.f32 $0.0e+00, v1;
	_ =	sdelay $0x1  }
0x2b1: {  	v0 =	vmul.f32 $1.442695020e+00, v0;
	_ =	sdelay $0x1  }
0x2b2: {  	(erf) = vpow2.f32 v0  }
0x2b3: {  	s2 =	simm.s32 $0x10  }
0x2b4: {  	v0 =	vld [tilespmem:s2+$0x1BFA0];
	_ =	sdelay $0x4  }
0x2b5: {  	v2 =	vsub.f32 $0.0e+00, v0;
	_ =	sdelay $0x1  }
0x2b6: {  	v2 =	vmul.f32 $1.442695020e+00, v2;
	v3 =	vpop (erf)  }
0x2b7: {  	v3 =	vadd.f32 $1.000000000e+00, v3  }
0x2b8: {  	(erf) = vpow2.f32 v2  }
0x2b9: {  	(erf) = vrcp.f32 v3  }
0x2ba: {  	s4 =	simm.s32 $0x20  }
0x2bb: {  	s5 =	simm.s32 $0xC0;
	v2 =	vld [tilespmem:s4+$0x1BFA0]  }
.LBB2_28:
0x2bc: {  	p0 =	sne.s32 s5, $0xFC0;
	v3 =	vld [tilespmem:$0x18B70];
	s6 =	smov.u32 s4;
	_ =	sdelay $0x3  }
0x2bd: {  	v7 =	vsub.f32 $0.0e+00, v2;
	v5 =	vld [tilespmem:s29+$0x1CBA0]  }
0x2be: {  	v6 =	vpop (erf);
	v3 =	vmul.f32 v3, v1;
	v1 =	vmov v0;
	v0 =	vmov v2  }
0x2bf: {  	v2 =	vmul.f32 $1.442695020e+00, v7;
	v4 =	vpop (erf)  }
.Ltmp13:
0x2c0: {  	v6 =	vadd.f32 $1.000000000e+00, v6;
	v3 =	vmul.f32 v4, v3;
	(pc) =	sbr.rel @p0 .LBB2_28-.Ltmp13, $4  }
0x2c1: {  	(erf) = vpow2.f32 v2  }
0x2c2: {  	(erf) = vrcp.f32 v6;
	v3 =	vadd.f32 v3, v5  }
0x2c3: {  	s4 =	sshra.s32 s5, $0x2  }
0x2c4: {  	s5 =	sadd.s32 $0x40, s5;
	v2 =	vld [tilespmem:s4+$0x1BFA0];
	[tilespmem:s29+$0x1CBA0] =	vst v3;
	s29 =	smov.u32 s2;
	s2 =	smov.u32 s6  }
0x2c5: {  	v3 =	vld [tilespmem:$0x18B70];
	_ =	sdelay $0x3  }
0x2c6: {  	v5 =	vld [tilespmem:s29+$0x1CBA0];
	v4 =	vsub.f32 $0.0e+00, v2  }
0x2c7: {  	v6 =	vpop (erf);
	v1 =	vmul.f32 v3, v1  }
0x2c8: {  	v3 =	vmul.f32 $1.442695020e+00, v4;
	v62 =	vpop (erf)  }
0x2c9: {  	v6 =	vadd.f32 $1.000000000e+00, v6;
	v1 =	vmul.f32 v62, v1  }
0x2ca: {  	(erf) = vpow2.f32 v3  }
0x2cb: {  	(erf) = vrcp.f32 v6;
	v1 =	vadd.f32 v1, v5;
	_ =	sdelay $0x1  }
0x2cc: {  	[tilespmem:s29+$0x1CBA0] =	vst v1  }
0x2cd: {  	v1 =	vld [tilespmem:$0x18B70];
	_ =	sdelay $0x3  }
0x2ce: {  	v3 =	vld [tilespmem:s2+$0x1CBA0]  }
0x2cf: {  	v63 =	vpop (erf);
	v0 =	vmul.f32 v1, v0  }
0x2d0: {  	v1 =	vpop (erf)  }
0x2d1: {  	v4 =	vadd.f32 $1.000000000e+00, v63;
	v0 =	vmul.f32 v1, v0;
	_ =	sdelay $0x1  }
0x2d2: {  	(erf) = vrcp.f32 v4;
	v0 =	vadd.f32 v0, v3;
	_ =	sdelay $0x1  }
0x2d3: {  	[tilespmem:s2+$0x1CBA0] =	vst v0  }
0x2d4: {  	v0 =	vld [tilespmem:$0x18B70];
	_ =	sdelay $0x3  }
0x2d5: {  	v1 =	vld [tilespmem:s4+$0x1CBA0]  }
0x2d6: {  	v0 =	vmul.f32 v0, v2  }
0x2d7: {  	v2 =	vpop (erf)  }
0x2d8: {  	v0 =	vmul.f32 v2, v0;
	_ =	sdelay $0x1  }
0x2d9: {  	v0 =	vadd.f32 v0, v1;
	_ =	sdelay $0x1  }
0x2da: {  	[tilespmem:s4+$0x1CBA0] =	vst v0  }
0x2db: {  	_ =	swait.ge [sflag:s1], $0x400  }
0x2dc: {  	[sflag:s1] =	ssyncset.done $0x0  }
0x2dd: {  	s29 =	simm.s32 $0x0;
	[sflag:s1] =	ssyncadd.s32 $0xFFFFFC00  }
0x2de: {  	v1 =	vld [tilespmem:s29+$0x1C3A0];
	_ =	sdelay $0x4  }
0x2df: {  	v0 =	vsub.f32 $0.0e+00, v1;
	_ =	sdelay $0x1  }
0x2e0: {  	v0 =	vmul.f32 $1.442695020e+00, v0;
	_ =	sdelay $0x1  }
0x2e1: {  	(erf) = vpow2.f32 v0  }
0x2e2: {  	s2 =	simm.s32 $0x10  }
0x2e3: {  	v0 =	vld [tilespmem:s2+$0x1C3A0];
	_ =	sdelay $0x4  }
0x2e4: {  	v2 =	vsub.f32 $0.0e+00, v0;
	_ =	sdelay $0x1  }
0x2e5: {  	v2 =	vmul.f32 $1.442695020e+00, v2;
	v3 =	vpop (erf)  }
0x2e6: {  	v3 =	vadd.f32 $1.000000000e+00, v3  }
0x2e7: {  	(erf) = vpow2.f32 v2  }
0x2e8: {  	(erf) = vrcp.f32 v3  }
0x2e9: {  	s4 =	simm.s32 $0x20  }
0x2ea: {  	s5 =	simm.s32 $0xC0;
	v2 =	vld [tilespmem:s4+$0x1C3A0]  }
.LBB2_30:
0x2eb: {  	p0 =	sne.s32 s5, $0xFC0;
	v3 =	vld [tilespmem:$0x18B80];
	s6 =	smov.u32 s4;
	_ =	sdelay $0x3  }
0x2ec: {  	v7 =	vsub.f32 $0.0e+00, v2;
	v5 =	vld [tilespmem:s29+$0x1CBA0]  }
0x2ed: {  	v6 =	vpop (erf);
	v3 =	vmul.f32 v3, v1;
	v1 =	vmov v0;
	v0 =	vmov v2  }
0x2ee: {  	v2 =	vmul.f32 $1.442695020e+00, v7;
	v4 =	vpop (erf)  }
.Ltmp14:
0x2ef: {  	v6 =	vadd.f32 $1.000000000e+00, v6;
	v3 =	vmul.f32 v4, v3;
	(pc) =	sbr.rel @p0 .LBB2_30-.Ltmp14, $4  }
0x2f0: {  	(erf) = vpow2.f32 v2  }
0x2f1: {  	(erf) = vrcp.f32 v6;
	v3 =	vadd.f32 v3, v5  }
0x2f2: {  	s4 =	sshra.s32 s5, $0x2  }
0x2f3: {  	s5 =	sadd.s32 $0x40, s5;
	v2 =	vld [tilespmem:s4+$0x1C3A0];
	[tilespmem:s29+$0x1CBA0] =	vst v3;
	s29 =	smov.u32 s2;
	s2 =	smov.u32 s6  }
0x2f4: {  	v3 =	vld [tilespmem:$0x18B80];
	_ =	sdelay $0x3  }
0x2f5: {  	v5 =	vld [tilespmem:s29+$0x1CBA0];
	v4 =	vsub.f32 $0.0e+00, v2  }
0x2f6: {  	v6 =	vpop (erf);
	v1 =	vmul.f32 v3, v1  }
0x2f7: {  	v3 =	vmul.f32 $1.442695020e+00, v4;
	v62 =	vpop (erf)  }
0x2f8: {  	v6 =	vadd.f32 $1.000000000e+00, v6;
	v1 =	vmul.f32 v62, v1  }
0x2f9: {  	(erf) = vpow2.f32 v3  }
0x2fa: {  	(erf) = vrcp.f32 v6;
	v1 =	vadd.f32 v1, v5;
	_ =	sdelay $0x1  }
0x2fb: {  	[tilespmem:s29+$0x1CBA0] =	vst v1  }
0x2fc: {  	v1 =	vld [tilespmem:$0x18B80];
	_ =	sdelay $0x3  }
0x2fd: {  	v3 =	vld [tilespmem:s2+$0x1CBA0]  }
0x2fe: {  	v63 =	vpop (erf);
	v0 =	vmul.f32 v1, v0  }
0x2ff: {  	v1 =	vpop (erf)  }
0x300: {  	v4 =	vadd.f32 $1.000000000e+00, v63;
	v0 =	vmul.f32 v1, v0;
	_ =	sdelay $0x1  }
0x301: {  	(erf) = vrcp.f32 v4;
	v0 =	vadd.f32 v0, v3;
	_ =	sdelay $0x1  }
0x302: {  	[tilespmem:s2+$0x1CBA0] =	vst v0  }
0x303: {  	v0 =	vld [tilespmem:$0x18B80];
	_ =	sdelay $0x3  }
0x304: {  	v1 =	vld [tilespmem:s4+$0x1CBA0]  }
0x305: {  	v0 =	vmul.f32 v0, v2  }
0x306: {  	v2 =	vpop (erf)  }
0x307: {  	v0 =	vmul.f32 v2, v0;
	_ =	sdelay $0x1  }
0x308: {  	v0 =	vadd.f32 v0, v1;
	_ =	sdelay $0x1  }
0x309: {  	[tilespmem:s4+$0x1CBA0] =	vst v0  }
0x30a: {  	_ =	swait.ge [sflag:s1], $0x400  }
0x30b: {  	[sflag:s1] =	ssyncset.done $0x0  }
0x30c: {  	s29 =	simm.s32 $0x0;
	[sflag:s1] =	ssyncadd.s32 $0xFFFFFC00  }
0x30d: {  	v1 =	vld [tilespmem:s29+$0x1C7A0];
	_ =	sdelay $0x4  }
0x30e: {  	v0 =	vsub.f32 $0.0e+00, v1;
	_ =	sdelay $0x1  }
0x30f: {  	v0 =	vmul.f32 $1.442695020e+00, v0;
	_ =	sdelay $0x1  }
0x310: {  	(erf) = vpow2.f32 v0  }
0x311: {  	s2 =	simm.s32 $0x10  }
0x312: {  	v0 =	vld [tilespmem:s2+$0x1C7A0];
	_ =	sdelay $0x4  }
0x313: {  	v2 =	vsub.f32 $0.0e+00, v0;
	_ =	sdelay $0x1  }
0x314: {  	v2 =	vmul.f32 $1.442695020e+00, v2;
	v3 =	vpop (erf)  }
0x315: {  	v3 =	vadd.f32 $1.000000000e+00, v3  }
0x316: {  	(erf) = vpow2.f32 v2  }
0x317: {  	(erf) = vrcp.f32 v3  }
0x318: {  	s4 =	simm.s32 $0x20  }
0x319: {  	s5 =	simm.s32 $0xC0;
	v2 =	vld [tilespmem:s4+$0x1C7A0]  }
.LBB2_32:
0x31a: {  	p0 =	sne.s32 s5, $0xFC0;
	v3 =	vld [tilespmem:$0x18B90];
	s6 =	smov.u32 s4;
	_ =	sdelay $0x3  }
0x31b: {  	v7 =	vsub.f32 $0.0e+00, v2;
	v5 =	vld [tilespmem:s29+$0x1CBA0]  }
0x31c: {  	v6 =	vpop (erf);
	v3 =	vmul.f32 v3, v1;
	v1 =	vmov v0;
	v0 =	vmov v2  }
0x31d: {  	v2 =	vmul.f32 $1.442695020e+00, v7;
	v4 =	vpop (erf)  }
.Ltmp15:
0x31e: {  	v6 =	vadd.f32 $1.000000000e+00, v6;
	v3 =	vmul.f32 v4, v3;
	(pc) =	sbr.rel @p0 .LBB2_32-.Ltmp15, $4  }
0x31f: {  	(erf) = vpow2.f32 v2  }
0x320: {  	(erf) = vrcp.f32 v6;
	v3 =	vadd.f32 v3, v5  }
0x321: {  	s4 =	sshra.s32 s5, $0x2  }
0x322: {  	s5 =	sadd.s32 $0x40, s5;
	v2 =	vld [tilespmem:s4+$0x1C7A0];
	[tilespmem:s29+$0x1CBA0] =	vst v3;
	s29 =	smov.u32 s2;
	s2 =	smov.u32 s6  }
0x323: {  	v3 =	vld [tilespmem:$0x18B90];
	_ =	sdelay $0x3  }
0x324: {  	v5 =	vld [tilespmem:s29+$0x1CBA0];
	v4 =	vsub.f32 $0.0e+00, v2  }
0x325: {  	v6 =	vpop (erf);
	v1 =	vmul.f32 v3, v1  }
0x326: {  	v57 =	vmul.f32 $1.442695020e+00, v4;
	v58 =	vpop (erf)  }
0x327: {  	v6 =	vadd.f32 $1.000000000e+00, v6;
	v1 =	vmul.f32 v58, v1  }
0x328: {  	(erf) = vpow2.f32 v57  }
0x329: {  	(erf) = vrcp.f32 v6;
	v1 =	vadd.f32 v1, v5;
	_ =	sdelay $0x1  }
0x32a: {  	[tilespmem:s29+$0x1CBA0] =	vst v1  }
0x32b: {  	v1 =	vld [tilespmem:$0x18B90];
	_ =	sdelay $0x3  }
0x32c: {  	v59 =	vld [tilespmem:s2+$0x1CBA0]  }
0x32d: {  	v60 =	vpop (erf);
	v0 =	vmul.f32 v1, v0  }
0x32e: {  	v61 =	vpop (erf)  }
0x32f: {  	v4 =	vadd.f32 $1.000000000e+00, v60;
	v0 =	vmul.f32 v61, v0;
	_ =	sdelay $0x1  }
0x330: {  	(erf) = vrcp.f32 v4;
	v0 =	vadd.f32 v0, v59;
	_ =	sdelay $0x1  }
0x331: {  	[tilespmem:s2+$0x1CBA0] =	vst v0  }
0x332: {  	v0 =	vld [tilespmem:$0x18B90];
	_ =	sdelay $0x3  }
0x333: {  	v62 =	vld [tilespmem:s4+$0x1CBA0]  }
0x334: {  	v0 =	vmul.f32 v0, v2  }
0x335: {  	v63 =	vpop (erf)  }
0x336: {  	v0 =	vmul.f32 v63, v0;
	_ =	sdelay $0x1  }
0x337: {  	s0 =	sadd.s32 $0x1, s0;
	v0 =	vadd.f32 v0, v62  }
0x338: {  	p0 =	sne.s32 s0, s24  }
.Ltmp16:
0x339: {  	s29 =	simm.s32 $0x1CBA0;
	[tilespmem:s4+$0x1CBA0] =	vst v0;
	(pc) =	sbr.rel @p0 .LBB2_1-.Ltmp16, $4  }
0x33a: {  	[hbm4b:s23+s3] =	stream.linear.scatter [tilespmem:s29], [sflag:$0x3], $0x400, $0x38;
	[tilespmem:$0x1CFA0] =	vst v63  }
0x33b: {  	_ =	swait.ge [sflag:s28], $0x400  }
0x33c: {  	[sflag:s28] =	ssyncset.done $0x0  }
0x33d: {  	[sflag:s28] =	ssyncadd.s32 $0xFFFFFC00  }
0x33e: {  	_ =	sfence.sel $0x180000  }
0x33f: {  	[bflag:$0x0] =	sbarrier.arrive $0xFFFF  }
0x340: {  	_ =	strace $0x90000047  }
0x341: {  	s0 =	stileid.u32;
	[bflag:$0x2] =	sbarrier.arrive $0xFFFF  }
0x342: {  	p0 =	sne.s32 s0, $0x0;
	s0 =	rddreg [dreg:$0x4]  }
0x343: {  	s0 =	sadd.s32 @!p0 $0x100000, s0  }
0x344: {  	[sflag:s0] =	ssyncadd.tile.s32 @!p0 $0x1;
	_ =	shalt  }
.Lfunc_end2:
_tile_overlayer_lowered:
.L_overlay_start_2:
0x345: {  	(tag) =	ssettag $0x2  }
0x346: {  	s0 =	rddreg [dreg:$0x0];
	s2 =	stileid.u32  }
0x347: {  	s1 =	rddreg [dreg:$0x1];
	p0 =	sne.s32 s2, $0x0  }
0x348: {  	s3 =	rddreg [dreg:$0x2];
	[bflag:$0x3] =	sbarrier.arrive $0xFFFF;
	s2 =	simm.s32 @!p0 $0x1C03  }
0x349: {  	[timem:s3], [sflag:s2] =	dma.local @!p0 [hbm:s0], s1  }
0x34a: {  	s0 =	simm.s32 @!p0 $0x3  }
0x34b: {  	_ =	swait.ge @!p0 [sflag:s0], s1  }
0x34c: {  	s1 =	ssub.s32 @!p0 $0x0, s1;
	[sflag:s0] =	ssyncset.done @!p0 $0x0  }
0x34d: {  	[sflag:s0] =	ssyncadd.s32 @!p0 s1  }
0x34e: {  	[bflag:$0x3] =	sbarrier.arrive $0xFFFF  }
0x34f: {  	_ =	shalt  }

</sc_bundles>
